<compile_context>
chip_gen: v7x
topology: tpu7x:2x2x1
jax: 0.10.2.dev20260603
libtpu: 0.0.44.dev20260713+nightly
codegen_flags: <defaults>
</compile_context>

<pallas_src>
import functools

import jax
import jax.numpy as jnp
from jax import lax
from jax.experimental import pallas as pl
from jax.experimental.pallas import tpu as pltpu
from jax.experimental.pallas import tpu_sc as plsc

N = 10000
E = 320000
NP = 10240
D = 16
DM = 8
BE = 2000
NB = E // BE
NW = 32
GC = (2 * E) // NW
GCH = 4000
SC_E = E // NW
NPT = NP // 16

def _mesh():
    return plsc.VectorSubcoreMesh(core_axis_name="c", subcore_axis_name="s")


_SC_PARAMS = pltpu.CompilerParams(use_tc_tiling_on_sc=False)




def _gather_body(nch, gch, table, idxall, out, idx_v, rows_v, sem):
    wid = lax.axis_index("s") * 2 + lax.axis_index("c")
    base = wid * (nch * gch)
    for t in range(nch):
        off = base + t * gch
        pltpu.sync_copy(idxall.at[pl.ds(off, gch)], idx_v.at[pl.ds(0, gch)])
        pltpu.async_copy(table.at[idx_v.at[pl.ds(0, gch)]], rows_v.at[pl.ds(0, gch)], sem).wait()
        pltpu.sync_copy(rows_v.at[pl.ds(0, gch)], out.at[pl.ds(off, gch)])


@functools.partial(jax.jit, static_argnums=2)
def _sc_gather(table, idxall, B=2 * E):
    per_tile = B // NW
    gch = GCH if per_tile % GCH == 0 else 2000
    nch = per_tile // gch
    k = pl.kernel(
        functools.partial(_gather_body, nch, gch),
        out_type=jax.ShapeDtypeStruct((B, D), jnp.float32),
        mesh=_mesh(),
        scratch_types=[
            pltpu.VMEM((GCH,), jnp.int32),
            pltpu.VMEM((GCH, D), jnp.float32),
            pltpu.SemaphoreType.DMA,
        ],
        compiler_params=_SC_PARAMS,
    )
    return k(table, idxall)


def _scatter_body(m, dst, zer, out, idx_v, m_v, acc):
    c = lax.axis_index("c")
    s = lax.axis_index("s")
    wid = s * 2 + c
    pltpu.sync_copy(zer.at[pl.ds(s * NPT, NPT)], acc.at[pl.ds(s * NPT, NPT)])
    plsc.subcore_barrier()
    pltpu.sync_copy(dst.at[pl.ds(wid * SC_E, SC_E)], idx_v)
    pltpu.sync_copy(m.at[pl.ds(wid * SC_E, SC_E)], m_v)
    pltpu.sync_copy(m_v, acc.at[idx_v], add=True)
    plsc.subcore_barrier()
    pltpu.sync_copy(acc.at[pl.ds(s * NPT, NPT)], out.at[c].at[pl.ds(s * NPT, NPT)])


@functools.partial(jax.jit)
def _sc_scatter(m, dst, zer):
    k = pl.kernel(
        _scatter_body,
        out_type=jax.ShapeDtypeStruct((2, NP, DM), jnp.float32),
        mesh=_mesh(),
        scratch_types=[
            pltpu.VMEM((SC_E,), jnp.int32),
            pltpu.VMEM((SC_E, DM), jnp.float32),
            pltpu.VMEM_SHARED((NP, DM), jnp.float32),
        ],
        compiler_params=_SC_PARAMS,
    )
    return k(m, dst, zer)




def _dot3(a, b):
    ah = a.astype(jnp.bfloat16)
    al = (a - ah.astype(jnp.float32)).astype(jnp.bfloat16)
    bh = b.astype(jnp.bfloat16)
    bl = (b - bh.astype(jnp.float32)).astype(jnp.bfloat16)
    d = lambda u, v: jnp.dot(u, v, preferred_element_type=jnp.float32)
    return d(ah, bh) + (d(ah, bl) + d(al, bh))


def _dotp(a, b):
    return jnp.dot(a, b, preferred_element_type=jnp.float32)


def _full(a):
    nd = a.ndim
    return pl.BlockSpec(a.shape, lambda i, _n=nd: (0,) * _n)


def _enc_body(x, w, b, h):
    h[...] = _dotp(x[...], w[...]) + b[...]


BN = 2000
NNB = N // BN


def _rowspec(c):
    return pl.BlockSpec((BN, c), lambda i: (i, 0))


def _encoder(x, w, b):
    return pl.pallas_call(
        _enc_body,
        grid=(NNB,),
        in_specs=[_rowspec(128), _full(w), _full(b)],
        out_specs=_rowspec(D),
        out_shape=jax.ShapeDtypeStruct((N, D), jnp.float32),
    )(x, w, b)


def _edge_body(ce, gd, gs, e, w1, b1, w2, b2, w3, b3, m):
    zc = jnp.concatenate([gd[..., :7], gs[..., :7], e[..., :ce]], axis=1)
    z = jnp.maximum(_dotp(zc, w1[...]) + b1[...], 0.0)
    z = jnp.maximum(_dotp(z, w2[...]) + b2[...], 0.0)
    m[...] = _dotp(z, w3[...]) + b3[...]


def _edge_mlp(gall, e, ce, w1, b1, w2, b2, w3, b3):
    specs = [
        pl.BlockSpec((BE, D), lambda i: (i, 0)),
        pl.BlockSpec((BE, D), lambda i: (i + NB, 0)),
        pl.BlockSpec((BE, e.shape[1]), lambda i: (i, 0)),
    ] + [_full(a) for a in (w1, b1, w2, b2, w3, b3)]
    return pl.pallas_call(
        functools.partial(_edge_body, ce),
        grid=(NB,),
        in_specs=specs,
        out_specs=pl.BlockSpec((BE, DM), lambda i: (i, 0)),
        out_shape=jax.ShapeDtypeStruct((E, DM), jnp.float32),
    )(gall, gall, e, w1, b1, w2, b2, w3, b3)


def _edge_c1_body(gd, gs, ea, e1, e2, e3,
                  v1, c1, u2, c2, u3, c3,
                  w1, b1, w2, b2, w3, b3,
                  m, wout):
    tc = jnp.concatenate([ea[..., :4], e1[..., :4], e2[..., :4], e3[..., :4]], axis=1)
    t = jnp.maximum(_dotp(tc, v1[...]) + c1[...], 0.0)
    t = jnp.maximum(_dotp(t, u2[...]) + c2[...], 0.0)
    w = jax.nn.sigmoid(_dotp(t, u3[...]) + c3[...])
    wout[...] = jnp.pad(w, ((0, 0), (0, D - 1)))
    zc = jnp.concatenate([gd[..., :7], gs[..., :7], w, tc], axis=1)
    z = jnp.maximum(_dotp(zc, w1[...]) + b1[...], 0.0)
    z = jnp.maximum(_dotp(z, w2[...]) + b2[...], 0.0)
    m[...] = _dotp(z, w3[...]) + b3[...]


def _edge_c1(gall, ea, e1, e2, e3, wargs, relargs):
    specs = [
        pl.BlockSpec((BE, D), lambda i: (i, 0)),
        pl.BlockSpec((BE, D), lambda i: (i + NB, 0)),
        pl.BlockSpec((BE, D), lambda i: (i, 0)),
        pl.BlockSpec((BE, DM), lambda i: (i, 0)),
        pl.BlockSpec((BE, DM), lambda i: (i, 0)),
        pl.BlockSpec((BE, DM), lambda i: (i, 0)),
    ] + [_full(a) for a in wargs] + [_full(a) for a in relargs]
    return pl.pallas_call(
        _edge_c1_body,
        grid=(NB,),
        in_specs=specs,
        out_specs=(
            pl.BlockSpec((BE, DM), lambda i: (i, 0)),
            pl.BlockSpec((BE, D), lambda i: (i, 0)),
        ),
        out_shape=(
            jax.ShapeDtypeStruct((E, DM), jnp.float32),
            jax.ShapeDtypeStruct((E, D), jnp.float32),
        ),
    )(gall, gall, ea, e1, e2, e3, *wargs, *relargs)


def _node_body(ar, h, xl, a0, a1, w1, b1, w2, b2, w3, b3, out):
    zc = jnp.concatenate([xl[..., :7], (a0[...] + a1[...])[:, :ar]], axis=1)
    z = jnp.maximum(_dotp(zc, w1[...]) + b1[...], 0.0)
    z = jnp.maximum(_dotp(z, w2[...]) + b2[...], 0.0)
    out[...] = h[...] + (_dotp(z, w3[...]) + b3[...])


def _node_mlp(h, xl, a0, a1, ar, w1, b1, w2, b2, w3, b3):
    ws = (w1, b1, w2, b2, w3, b3)
    return pl.pallas_call(
        functools.partial(_node_body, ar),
        grid=(NNB,),
        in_specs=[_rowspec(D), _rowspec(D), _rowspec(DM), _rowspec(DM)]
        + [_full(a) for a in ws],
        out_specs=_rowspec(D),
        out_shape=jax.ShapeDtypeStruct((N, D), jnp.float32),
    )(h, xl, a0, a1, *ws)


def _final_body(h, xl, a0, a1, w1, b1, w2, b2, w3, b3,
                wb1, cb1, wb2, cb2, wb3, cb3,
                wx1, cx1, wx2, cx2, wx3, cx3, beta, hc):
    zc = jnp.concatenate([xl[..., :7], a0[...] + a1[...]], axis=1)
    z = jnp.maximum(_dotp(zc, w1[...]) + b1[...], 0.0)
    z = jnp.maximum(_dotp(z, w2[...]) + b2[...], 0.0)
    hc3 = h[..., :7] + (_dotp(z, w3[...]) + b3[...])
    t = jnp.maximum(_dotp(hc3, wb1[...]) + cb1[...], 0.0)
    t = jnp.maximum(_dotp(t, wb2[...]) + cb2[...], 0.0)
    beta[...] = jax.nn.sigmoid(_dotp(t, wb3[...]) + cb3[...])
    t = jnp.maximum(_dotp(hc3, wx1[...]) + cx1[...], 0.0)
    t = jnp.maximum(_dotp(t, wx2[...]) + cx2[...], 0.0)
    hc[...] = _dotp(t, wx3[...]) + cx3[...]


def _final_mlp(h, xl, a0, a1, objargs, bargs, xargs):
    ws = objargs + bargs + xargs
    return pl.pallas_call(
        _final_body,
        grid=(NNB,),
        in_specs=[_rowspec(D), _rowspec(D), _rowspec(DM), _rowspec(DM)]
        + [_full(a) for a in ws],
        out_specs=(_rowspec(1), _rowspec(3)),
        out_shape=(
            jax.ShapeDtypeStruct((N, 1), jnp.float32),
            jax.ShapeDtypeStruct((N, 3), jnp.float32),
        ),
    )(h, xl, a0, a1, *ws)




def _padr(w, rows):
    return jnp.pad(w, ((0, rows - w.shape[0]), (0, 0)))


def _padc(w, cols):
    return jnp.pad(w, ((0, 0), (0, cols - w.shape[1])))


def _rel_args(p):
    return (p['W1'], p['b1'][None, :], p['W2'], p['b2'][None, :],
            _padc(p['W3'], DM), _padc(p['b3'][None, :], DM))


def _obj_args(p):
    return (p['W1'], p['b1'][None, :], p['W2'], p['b2'][None, :],
            _padc(p['W3'], D), _padc(p['b3'][None, :], D))


def kernel(x, edge_index, edge_attr, params):
    p = params
    dst = edge_index[1]
    src = edge_index[0]
    idx_all = jnp.concatenate([dst, src], axis=0)
    zer = jnp.zeros((NP, DM), jnp.float32)
    ea_s = _padc(edge_attr, D)

    h = _encoder(x, _padc(p['encoder_W'], D), _padc(p['encoder_b'][None, :], D))

    def seg(m):
        s = jax.ops.segment_sum(m, dst, num_segments=N)
        return s, jnp.zeros_like(s)

    def layer(pl_, xl, e, ce, ar):
        gall = _sc_gather(xl, idx_all)
        m = _edge_mlp(gall, e, ce, *_rel_args(pl_['rel']))
        a0, a1 = seg(m)
        xn = _node_mlp(h, xl, a0, a1, ar, *_obj_args(pl_['obj']))
        return xn, m

    x1, e1 = layer(p['in_w1'], h, ea_s, 4, 4)
    x2, e2 = layer(p['in_w2'], x1, e1, 4, 4)
    x3, e3 = layer(p['in_w3'], x2, e2, 4, 4)

    pw = p['W']
    wargs = (pw['W1'], pw['b1'][None, :], pw['W2'],
             pw['b2'][None, :], pw['W3'], pw['b3'][None, :])
    pc = p['in_c1']['rel']
    relargs = (pc['W1'], pc['b1'][None, :], pc['W2'],
               pc['b2'][None, :], _padc(pc['W3'], DM), _padc(pc['b3'][None, :], DM))
    gall = _sc_gather(x3, idx_all)
    ec1, ew_s = _edge_c1(gall, ea_s, e1, e2, e3, wargs, relargs)
    a0, a1 = seg(ec1)
    x4 = _node_mlp(h, x3, a0, a1, 8, *_obj_args(p['in_c1']['obj']))

    x5, ec2 = layer(p['in_c2'], x4, ec1, 8, 8)

    gall = _sc_gather(x5, idx_all)
    ec3 = _edge_mlp(gall, ec2, 8, *_rel_args(p['in_c3']['rel']))
    agg = _sc_scatter(ec3, dst, zer)
    pb, px, po = p['B'], p['X'], p['in_c3']['obj']
    oa = (po['W1'], po['b1'][None, :], po['W2'], po['b2'][None, :],
          po['W3'], po['b3'][None, :])
    bargs = (pb['W1'], pb['b1'][None, :], pb['W2'], pb['b2'][None, :],
             pb['W3'], pb['b3'][None, :])
    xargs = (px['W1'], px['b1'][None, :], px['W2'], px['b2'][None, :],
             px['W3'], px['b3'][None, :])
    beta, hc = _final_mlp(h, x5, agg[0, :N], agg[1, :N], oa, bargs, xargs)

    edge_weights = ew_s[:, :1]
    return (edge_weights, hc, beta)

# --- scband reference (transcript-rebuilt; emitter-appended) ---
"""Pipeline reference for scband-point-cloud-tcn-11261404250709 (READ-ONLY COPY).

The authoritative reference and input builder live on the scoring server;
editing this copy changes nothing except your own understanding.
"""

import jax, jax.numpy as jnp
import numpy as np

N = 10000
E = 320000
NODE_INDIM = 128
EDGE_INDIM = 4
H_DIM = 7
HIDDEN = 40
HC_OUTDIM = 3


def _mlp_init(key, indim, outdim, hidden):
    k1, k2, k3 = jax.random.split(key, 3)
    s1 = 1.0 / np.sqrt(indim)
    s2 = 1.0 / np.sqrt(hidden)
    return {
        'W1': jax.random.normal(k1, (indim, hidden), jnp.float32) * s1,
        'b1': jnp.zeros((hidden,), jnp.float32),
        'W2': jax.random.normal(k2, (hidden, hidden), jnp.float32) * s2,
        'b2': jnp.zeros((hidden,), jnp.float32),
        'W3': jax.random.normal(k3, (hidden, outdim), jnp.float32) * s2,
        'b3': jnp.zeros((outdim,), jnp.float32),
    }


def _mlp_apply(p, x):
    x = jax.nn.relu(x @ p['W1'] + p['b1'])
    x = jax.nn.relu(x @ p['W2'] + p['b2'])
    return x @ p['W3'] + p['b3']


def _in_init(key, node_indim, edge_indim, node_outdim, edge_outdim, node_hidden, edge_hidden):
    k1, k2 = jax.random.split(key)
    return {
        'rel': _mlp_init(k1, 2 * node_indim + edge_indim, edge_outdim, edge_hidden),
        'obj': _mlp_init(k2, node_indim + edge_outdim, node_outdim, node_hidden),
    }


def _in_apply(p, x, edge_index, edge_attr):
    src = edge_index[0]
    dst = edge_index[1]
    # relational model on [x_i (dst), x_j (src), edge_attr]
    m = _mlp_apply(p['rel'], jnp.concatenate([x[dst], x[src], edge_attr], axis=1))
    # scatter-add aggregation at destination nodes
    agg = jax.ops.segment_sum(m, dst, num_segments=x.shape[0])
    node_out = _mlp_apply(p['obj'], jnp.concatenate([x, agg], axis=1))
    return node_out, m


def setup_inputs(seed: int = 0) -> dict:
    key = jax.random.key(seed)
    ks = jax.random.split(key, 16)
    x = jax.random.normal(ks[0], (N, NODE_INDIM), jnp.float32)
    edge_index = jax.random.randint(ks[1], (2, E), 0, N, dtype=jnp.int32)
    edge_attr = jax.random.normal(ks[2], (E, EDGE_INDIM), jnp.float32)
    ek = 1.0 / np.sqrt(NODE_INDIM)
    params = {
        'encoder_W': jax.random.normal(ks[3], (NODE_INDIM, H_DIM), jnp.float32) * ek,
        'encoder_b': jnp.zeros((H_DIM,), jnp.float32),
        'in_w1': _in_init(ks[4], H_DIM, EDGE_INDIM, H_DIM, 4, HIDDEN, HIDDEN),
        'in_w2': _in_init(ks[5], H_DIM, 4, H_DIM, 4, HIDDEN, HIDDEN),
        'in_w3': _in_init(ks[6], H_DIM, 4, H_DIM, 4, HIDDEN, HIDDEN),
        'in_c1': _in_init(ks[7], H_DIM, 17, H_DIM, 8, HIDDEN, HIDDEN),
        'in_c2': _in_init(ks[8], H_DIM, 8, H_DIM, 8, HIDDEN, HIDDEN),
        'in_c3': _in_init(ks[9], H_DIM, 8, H_DIM, 8, HIDDEN, HIDDEN),
        'W': _mlp_init(ks[10], 16, 1, 40),
        'B': _mlp_init(ks[11], H_DIM, 1, 60),
        'X': _mlp_init(ks[12], H_DIM, HC_OUTDIM, 80),
    }
    return {'x': x, 'edge_index': edge_index, 'edge_attr': edge_attr, 'params': params}


def reference(x, edge_index, edge_attr, params):
    h = x @ params['encoder_W'] + params['encoder_b']
    h1, e1 = _in_apply(params['in_w1'], h, edge_index, edge_attr)
    h2, e2 = _in_apply(params['in_w2'], h + h1, edge_index, e1)
    h3, e3 = _in_apply(params['in_w3'], h + h2, edge_index, e2)
    initial_edge_attr = jnp.concatenate([edge_attr, e1, e2, e3], axis=1)
    edge_weights = jax.nn.sigmoid(_mlp_apply(params['W'], initial_edge_attr))
    edge_attr_w = jnp.concatenate([edge_weights, initial_edge_attr], axis=1)
    hc1, ec1 = _in_apply(params['in_c1'], h + h3, edge_index, edge_attr_w)
    hc2, ec2 = _in_apply(params['in_c2'], h + hc1, edge_index, ec1)
    hc3, ec3 = _in_apply(params['in_c3'], h + hc2, edge_index, ec2)
    hc3 = hc3 + h
    beta = jax.nn.sigmoid(_mlp_apply(params['B'], hc3))
    hc = _mlp_apply(params['X'], hc3)
    return (edge_weights, hc, beta)

if __name__ == "__main__":
    import jax
    _d = setup_inputs()
    print(jax.jit(kernel)(*tuple(_d.values())))

</pallas_src>

<mosaic_0001>
#map = affine_map<(d0, d1) -> (0, 0)>
#map1 = affine_map<(d0, d1) -> (0)>
module attributes {stable_mosaic.version = 14 : i64} {
  func.func @_gather_body(%arg0: i32, %arg1: i32, %arg2: memref<10000x16xf32, #tpu.memory_space<hbm>>, %arg3: memref<640000xi32, #tpu.memory_space<hbm>>, %arg4: memref<640000x16xf32, #tpu.memory_space<hbm>>, %arg5: memref<4000xi32, #tpu.memory_space<vmem>>, %arg6: memref<4000x16xf32, #tpu.memory_space<vmem>>, %arg7: memref<!tpu.dma_semaphore, #tpu.memory_space<semaphore_mem>>) attributes {dimension_semantics = [#tpu.dimension_semantics<core_parallel>, #tpu.dimension_semantics<subcore_parallel>], iteration_bounds = array<i64: 2, 16>, scalar_prefetch = 0 : i64, scratch_operands = 3 : i64, tpu.core_type = #tpu.core_type<sc_vector_subcore>, window_params = [{transform_indices = #map}, {transform_indices = #map1}, {transform_indices = #map}]} {
    %mul3A = arith.constant 2 : i32
    %mul3A_0 = arith.muli %arg1, %mul3A : i32
    %add3A = arith.addi %mul3A_0, %arg0 : i32
    %mul3A_1 = arith.constant 20000 : i32
    %mul3A_2 = arith.muli %add3A, %mul3A_1 : i32
    %add3A_3 = arith.constant 0 : i32
    %add3A_4 = arith.addi %mul3A_2, %add3A_3 : i32
    "tpu.region"() ({
      %run_scoped3A = tpu.sem_alloc : memref<!tpu.dma_semaphore, #tpu.memory_space<semaphore_mem>>
      %dma_start3A_91 = arith.constant 0 : i32
      %dma_start3A_92 = tpu.memref_slice %arg5[%dma_start3A_91] : memref<4000xi32, #tpu.memory_space<vmem>> -> memref<4000xi32, #tpu.memory_space<vmem>>
      %dma_start3A_93 = tpu.memref_slice %arg3[%add3A_4] : memref<640000xi32, #tpu.memory_space<hbm>> -> memref<4000xi32, #tpu.memory_space<hbm>>
      %dma_start3A_94 = arith.constant 0 : i32
      %dma_start3A_95 = tpu.memref_slice %arg5[%dma_start3A_94] : memref<4000xi32, #tpu.memory_space<vmem>> -> memref<4000xi32, #tpu.memory_space<vmem>>
      %dma_start3A_96 = tpu.memref_slice %arg3[%add3A_4] : memref<640000xi32, #tpu.memory_space<hbm>> -> memref<4000xi32, #tpu.memory_space<hbm>>
      tpu.enqueue_dma source(%dma_start3A_96 : memref<4000xi32, #tpu.memory_space<hbm>>) target(%dma_start3A_95 : memref<4000xi32, #tpu.memory_space<vmem>>) target_semaphore(%run_scoped3A : memref<!tpu.dma_semaphore, #tpu.memory_space<semaphore_mem>>)
      %dma_wait3A_97 = arith.constant 0 : i32
      %dma_wait3A_98 = tpu.memref_slice %arg5[%dma_wait3A_97] : memref<4000xi32, #tpu.memory_space<vmem>> -> memref<4000xi32, #tpu.memory_space<vmem>>
      %dma_wait3A_99 = tpu.memref_slice %arg3[%add3A_4] : memref<640000xi32, #tpu.memory_space<hbm>> -> memref<4000xi32, #tpu.memory_space<hbm>>
      %dma_wait3A_100 = arith.constant 0 : i32
      %dma_wait3A_101 = tpu.memref_slice %arg5[%dma_wait3A_100] : memref<4000xi32, #tpu.memory_space<vmem>> -> memref<4000xi32, #tpu.memory_space<vmem>>
      %dma_wait3A_102 = tpu.memref_slice %arg3[%add3A_4] : memref<640000xi32, #tpu.memory_space<hbm>> -> memref<4000xi32, #tpu.memory_space<hbm>>
      tpu.wait_dma2 semaphore(%run_scoped3A : memref<!tpu.dma_semaphore, #tpu.memory_space<semaphore_mem>>) src(%dma_wait3A_102 : memref<4000xi32, #tpu.memory_space<hbm>>) dst(%dma_wait3A_101 : memref<4000xi32, #tpu.memory_space<vmem>>)
      tpu.yield
    }) : () -> ()
    %dma_start3A = arith.constant 0 : i32
    %dma_start3A_5 = arith.constant 0 : i32
    %dma_start3A_6 = tpu.memref_slice %arg6[%dma_start3A, %dma_start3A_5] : memref<4000x16xf32, #tpu.memory_space<vmem>> -> memref<4000x16xf32, #tpu.memory_space<vmem>>
    %dma_start3A_7 = arith.constant 0 : i32
    %dma_start3A_8 = tpu.memref_slice %arg5[%dma_start3A_7] : memref<4000xi32, #tpu.memory_space<vmem>> -> memref<4000xi32, #tpu.memory_space<vmem>>
    %dma_start3A_9 = arith.constant 0 : i32
    %dma_start3A_10 = arith.constant 0 : i32
    %dma_start3A_11 = tpu.memref_slice %arg2[%dma_start3A_9, %dma_start3A_10] : memref<10000x16xf32, #tpu.memory_space<hbm>> -> memref<10000x16xf32, #tpu.memory_space<hbm>>
    tpu.enqueue_indirect_dma source(%dma_start3A_11 : memref<10000x16xf32, #tpu.memory_space<hbm>>) target(%dma_start3A_6 : memref<4000x16xf32, #tpu.memory_space<vmem>>) offsets(%dma_start3A_8 : memref<4000xi32, #tpu.memory_space<vmem>>) semaphore(%arg7 : memref<!tpu.dma_semaphore, #tpu.memory_space<semaphore_mem>>)
    %dma_wait3A = arith.constant 0 : i32
    %dma_wait3A_12 = arith.constant 0 : i32
    %dma_wait3A_13 = tpu.memref_slice %arg6[%dma_wait3A, %dma_wait3A_12] : memref<4000x16xf32, #tpu.memory_space<vmem>> -> memref<4000x16xf32, #tpu.memory_space<vmem>>
    %dma_wait3A_14 = arith.constant 0 : i32
    %dma_wait3A_15 = tpu.memref_slice %arg5[%dma_wait3A_14] : memref<4000xi32, #tpu.memory_space<vmem>> -> memref<4000xi32, #tpu.memory_space<vmem>>
    %dma_wait3A_16 = arith.constant 0 : i32
    %dma_wait3A_17 = arith.constant 0 : i32
    %dma_wait3A_18 = tpu.memref_slice %arg2[%dma_wait3A_16, %dma_wait3A_17] : memref<10000x16xf32, #tpu.memory_space<hbm>> -> memref<10000x16xf32, #tpu.memory_space<hbm>>
    tpu.wait_indirect_dma semaphore(%arg7 : memref<!tpu.dma_semaphore, #tpu.memory_space<semaphore_mem>>) src(%dma_wait3A_18 : memref<10000x16xf32, #tpu.memory_space<hbm>>) dst(%dma_wait3A_13 : memref<4000x16xf32, #tpu.memory_space<vmem>>)
    "tpu.region"() ({
      %run_scoped3A = tpu.sem_alloc : memref<!tpu.dma_semaphore, #tpu.memory_space<semaphore_mem>>
      %dma_start3A_91 = arith.constant 0 : i32
      %dma_start3A_92 = arith.constant 0 : i32
      %dma_start3A_93 = tpu.memref_slice %arg6[%dma_start3A_91, %dma_start3A_92] : memref<4000x16xf32, #tpu.memory_space<vmem>> -> memref<4000x16xf32, #tpu.memory_space<vmem>>
      %dma_start3A_94 = arith.constant 0 : i32
      %dma_start3A_95 = tpu.memref_slice %arg4[%add3A_4, %dma_start3A_94] : memref<640000x16xf32, #tpu.memory_space<hbm>> -> memref<4000x16xf32, #tpu.memory_space<hbm>>
      %dma_start3A_96 = arith.constant 0 : i32
      %dma_start3A_97 = tpu.memref_slice %arg4[%add3A_4, %dma_start3A_96] : memref<640000x16xf32, #tpu.memory_space<hbm>> -> memref<4000x16xf32, #tpu.memory_space<hbm>>
      %dma_start3A_98 = arith.constant 0 : i32
      %dma_start3A_99 = arith.constant 0 : i32
      %dma_start3A_100 = tpu.memref_slice %arg6[%dma_start3A_98, %dma_start3A_99] : memref<4000x16xf32, #tpu.memory_space<vmem>> -> memref<4000x16xf32, #tpu.memory_space<vmem>>
      tpu.enqueue_dma source(%dma_start3A_100 : memref<4000x16xf32, #tpu.memory_space<vmem>>) target(%dma_start3A_97 : memref<4000x16xf32, #tpu.memory_space<hbm>>) target_semaphore(%run_scoped3A : memref<!tpu.dma_semaphore, #tpu.memory_space<semaphore_mem>>)
      %dma_wait3A_101 = arith.constant 0 : i32
      %dma_wait3A_102 = arith.constant 0 : i32
      %dma_wait3A_103 = tpu.memref_slice %arg6[%dma_wait3A_101, %dma_wait3A_102] : memref<4000x16xf32, #tpu.memory_space<vmem>> -> memref<4000x16xf32, #tpu.memory_space<vmem>>
      %dma_wait3A_104 = arith.constant 0 : i32
      %dma_wait3A_105 = tpu.memref_slice %arg4[%add3A_4, %dma_wait3A_104] : memref<640000x16xf32, #tpu.memory_space<hbm>> -> memref<4000x16xf32, #tpu.memory_space<hbm>>
      %dma_wait3A_106 = arith.constant 0 : i32
      %dma_wait3A_107 = tpu.memref_slice %arg4[%add3A_4, %dma_wait3A_106] : memref<640000x16xf32, #tpu.memory_space<hbm>> -> memref<4000x16xf32, #tpu.memory_space<hbm>>
      %dma_wait3A_108 = arith.constant 0 : i32
      %dma_wait3A_109 = arith.constant 0 : i32
      %dma_wait3A_110 = tpu.memref_slice %arg6[%dma_wait3A_108, %dma_wait3A_109] : memref<4000x16xf32, #tpu.memory_space<vmem>> -> memref<4000x16xf32, #tpu.memory_space<vmem>>
      tpu.wait_dma2 semaphore(%run_scoped3A : memref<!tpu.dma_semaphore, #tpu.memory_space<semaphore_mem>>) src(%dma_wait3A_110 : memref<4000x16xf32, #tpu.memory_space<vmem>>) dst(%dma_wait3A_107 : memref<4000x16xf32, #tpu.memory_space<hbm>>)
      tpu.yield
    }) : () -> ()
    %add3A_19 = arith.constant 4000 : i32
    %add3A_20 = arith.addi %mul3A_2, %add3A_19 : i32
    "tpu.region"() ({
      %run_scoped3A = tpu.sem_alloc : memref<!tpu.dma_semaphore, #tpu.memory_space<semaphore_mem>>
      %dma_start3A_91 = arith.constant 0 : i32
      %dma_start3A_92 = tpu.memref_slice %arg5[%dma_start3A_91] : memref<4000xi32, #tpu.memory_space<vmem>> -> memref<4000xi32, #tpu.memory_space<vmem>>
      %dma_start3A_93 = tpu.memref_slice %arg3[%add3A_20] : memref<640000xi32, #tpu.memory_space<hbm>> -> memref<4000xi32, #tpu.memory_space<hbm>>
      %dma_start3A_94 = arith.constant 0 : i32
      %dma_start3A_95 = tpu.memref_slice %arg5[%dma_start3A_94] : memref<4000xi32, #tpu.memory_space<vmem>> -> memref<4000xi32, #tpu.memory_space<vmem>>
      %dma_start3A_96 = tpu.memref_slice %arg3[%add3A_20] : memref<640000xi32, #tpu.memory_space<hbm>> -> memref<4000xi32, #tpu.memory_space<hbm>>
      tpu.enqueue_dma source(%dma_start3A_96 : memref<4000xi32, #tpu.memory_space<hbm>>) target(%dma_start3A_95 : memref<4000xi32, #tpu.memory_space<vmem>>) target_semaphore(%run_scoped3A : memref<!tpu.dma_semaphore, #tpu.memory_space<semaphore_mem>>)
      %dma_wait3A_97 = arith.constant 0 : i32
      %dma_wait3A_98 = tpu.memref_slice %arg5[%dma_wait3A_97] : memref<4000xi32, #tpu.memory_space<vmem>> -> memref<4000xi32, #tpu.memory_space<vmem>>
      %dma_wait3A_99 = tpu.memref_slice %arg3[%add3A_20] : memref<640000xi32, #tpu.memory_space<hbm>> -> memref<4000xi32, #tpu.memory_space<hbm>>
      %dma_wait3A_100 = arith.constant 0 : i32
      %dma_wait3A_101 = tpu.memref_slice %arg5[%dma_wait3A_100] : memref<4000xi32, #tpu.memory_space<vmem>> -> memref<4000xi32, #tpu.memory_space<vmem>>
      %dma_wait3A_102 = tpu.memref_slice %arg3[%add3A_20] : memref<640000xi32, #tpu.memory_space<hbm>> -> memref<4000xi32, #tpu.memory_space<hbm>>
      tpu.wait_dma2 semaphore(%run_scoped3A : memref<!tpu.dma_semaphore, #tpu.memory_space<semaphore_mem>>) src(%dma_wait3A_102 : memref<4000xi32, #tpu.memory_space<hbm>>) dst(%dma_wait3A_101 : memref<4000xi32, #tpu.memory_space<vmem>>)
      tpu.yield
    }) : () -> ()
    %dma_start3A_21 = arith.constant 0 : i32
    %dma_start3A_22 = arith.constant 0 : i32
    %dma_start3A_23 = tpu.memref_slice %arg6[%dma_start3A_21, %dma_start3A_22] : memref<4000x16xf32, #tpu.memory_space<vmem>> -> memref<4000x16xf32, #tpu.memory_space<vmem>>
    %dma_start3A_24 = arith.constant 0 : i32
    %dma_start3A_25 = tpu.memref_slice %arg5[%dma_start3A_24] : memref<4000xi32, #tpu.memory_space<vmem>> -> memref<4000xi32, #tpu.memory_space<vmem>>
    %dma_start3A_26 = arith.constant 0 : i32
    %dma_start3A_27 = arith.constant 0 : i32
    %dma_start3A_28 = tpu.memref_slice %arg2[%dma_start3A_26, %dma_start3A_27] : memref<10000x16xf32, #tpu.memory_space<hbm>> -> memref<10000x16xf32, #tpu.memory_space<hbm>>
    tpu.enqueue_indirect_dma source(%dma_start3A_28 : memref<10000x16xf32, #tpu.memory_space<hbm>>) target(%dma_start3A_23 : memref<4000x16xf32, #tpu.memory_space<vmem>>) offsets(%dma_start3A_25 : memref<4000xi32, #tpu.memory_space<vmem>>) semaphore(%arg7 : memref<!tpu.dma_semaphore, #tpu.memory_space<semaphore_mem>>)
    %dma_wait3A_29 = arith.constant 0 : i32
    %dma_wait3A_30 = arith.constant 0 : i32
    %dma_wait3A_31 = tpu.memref_slice %arg6[%dma_wait3A_29, %dma_wait3A_30] : memref<4000x16xf32, #tpu.memory_space<vmem>> -> memref<4000x16xf32, #tpu.memory_space<vmem>>
    %dma_wait3A_32 = arith.constant 0 : i32
    %dma_wait3A_33 = tpu.memref_slice %arg5[%dma_wait3A_32] : memref<4000xi32, #tpu.memory_space<vmem>> -> memref<4000xi32, #tpu.memory_space<vmem>>
    %dma_wait3A_34 = arith.constant 0 : i32
    %dma_wait3A_35 = arith.constant 0 : i32
    %dma_wait3A_36 = tpu.memref_slice %arg2[%dma_wait3A_34, %dma_wait3A_35] : memref<10000x16xf32, #tpu.memory_space<hbm>> -> memref<10000x16xf32, #tpu.memory_space<hbm>>
    tpu.wait_indirect_dma semaphore(%arg7 : memref<!tpu.dma_semaphore, #tpu.memory_space<semaphore_mem>>) src(%dma_wait3A_36 : memref<10000x16xf32, #tpu.memory_space<hbm>>) dst(%dma_wait3A_31 : memref<4000x16xf32, #tpu.memory_space<vmem>>)
    "tpu.region"() ({
      %run_scoped3A = tpu.sem_alloc : memref<!tpu.dma_semaphore, #tpu.memory_space<semaphore_mem>>
      %dma_start3A_91 = arith.constant 0 : i32
      %dma_start3A_92 = arith.constant 0 : i32
      %dma_start3A_93 = tpu.memref_slice %arg6[%dma_start3A_91, %dma_start3A_92] : memref<4000x16xf32, #tpu.memory_space<vmem>> -> memref<4000x16xf32, #tpu.memory_space<vmem>>
      %dma_start3A_94 = arith.constant 0 : i32
      %dma_start3A_95 = tpu.memref_slice %arg4[%add3A_20, %dma_start3A_94] : memref<640000x16xf32, #tpu.memory_space<hbm>> -> memref<4000x16xf32, #tpu.memory_space<hbm>>
      %dma_start3A_96 = arith.constant 0 : i32
      %dma_start3A_97 = tpu.memref_slice %arg4[%add3A_20, %dma_start3A_96] : memref<640000x16xf32, #tpu.memory_space<hbm>> -> memref<4000x16xf32, #tpu.memory_space<hbm>>
      %dma_start3A_98 = arith.constant 0 : i32
      %dma_start3A_99 = arith.constant 0 : i32
      %dma_start3A_100 = tpu.memref_slice %arg6[%dma_start3A_98, %dma_start3A_99] : memref<4000x16xf32, #tpu.memory_space<vmem>> -> memref<4000x16xf32, #tpu.memory_space<vmem>>
      tpu.enqueue_dma source(%dma_start3A_100 : memref<4000x16xf32, #tpu.memory_space<vmem>>) target(%dma_start3A_97 : memref<4000x16xf32, #tpu.memory_space<hbm>>) target_semaphore(%run_scoped3A : memref<!tpu.dma_semaphore, #tpu.memory_space<semaphore_mem>>)
      %dma_wait3A_101 = arith.constant 0 : i32
      %dma_wait3A_102 = arith.constant 0 : i32
      %dma_wait3A_103 = tpu.memref_slice %arg6[%dma_wait3A_101, %dma_wait3A_102] : memref<4000x16xf32, #tpu.memory_space<vmem>> -> memref<4000x16xf32, #tpu.memory_space<vmem>>
      %dma_wait3A_104 = arith.constant 0 : i32
      %dma_wait3A_105 = tpu.memref_slice %arg4[%add3A_20, %dma_wait3A_104] : memref<640000x16xf32, #tpu.memory_space<hbm>> -> memref<4000x16xf32, #tpu.memory_space<hbm>>
      %dma_wait3A_106 = arith.constant 0 : i32
      %dma_wait3A_107 = tpu.memref_slice %arg4[%add3A_20, %dma_wait3A_106] : memref<640000x16xf32, #tpu.memory_space<hbm>> -> memref<4000x16xf32, #tpu.memory_space<hbm>>
      %dma_wait3A_108 = arith.constant 0 : i32
      %dma_wait3A_109 = arith.constant 0 : i32
      %dma_wait3A_110 = tpu.memref_slice %arg6[%dma_wait3A_108, %dma_wait3A_109] : memref<4000x16xf32, #tpu.memory_space<vmem>> -> memref<4000x16xf32, #tpu.memory_space<vmem>>
      tpu.wait_dma2 semaphore(%run_scoped3A : memref<!tpu.dma_semaphore, #tpu.memory_space<semaphore_mem>>) src(%dma_wait3A_110 : memref<4000x16xf32, #tpu.memory_space<vmem>>) dst(%dma_wait3A_107 : memref<4000x16xf32, #tpu.memory_space<hbm>>)
      tpu.yield
    }) : () -> ()
    %add3A_37 = arith.constant 8000 : i32
    %add3A_38 = arith.addi %mul3A_2, %add3A_37 : i32
    "tpu.region"() ({
      %run_scoped3A = tpu.sem_alloc : memref<!tpu.dma_semaphore, #tpu.memory_space<semaphore_mem>>
      %dma_start3A_91 = arith.constant 0 : i32
      %dma_start3A_92 = tpu.memref_slice %arg5[%dma_start3A_91] : memref<4000xi32, #tpu.memory_space<vmem>> -> memref<4000xi32, #tpu.memory_space<vmem>>
      %dma_start3A_93 = tpu.memref_slice %arg3[%add3A_38] : memref<640000xi32, #tpu.memory_space<hbm>> -> memref<4000xi32, #tpu.memory_space<hbm>>
      %dma_start3A_94 = arith.constant 0 : i32
      %dma_start3A_95 = tpu.memref_slice %arg5[%dma_start3A_94] : memref<4000xi32, #tpu.memory_space<vmem>> -> memref<4000xi32, #tpu.memory_space<vmem>>
      %dma_start3A_96 = tpu.memref_slice %arg3[%add3A_38] : memref<640000xi32, #tpu.memory_space<hbm>> -> memref<4000xi32, #tpu.memory_space<hbm>>
      tpu.enqueue_dma source(%dma_start3A_96 : memref<4000xi32, #tpu.memory_space<hbm>>) target(%dma_start3A_95 : memref<4000xi32, #tpu.memory_space<vmem>>) target_semaphore(%run_scoped3A : memref<!tpu.dma_semaphore, #tpu.memory_space<semaphore_mem>>)
      %dma_wait3A_97 = arith.constant 0 : i32
      %dma_wait3A_98 = tpu.memref_slice %arg5[%dma_wait3A_97] : memref<4000xi32, #tpu.memory_space<vmem>> -> memref<4000xi32, #tpu.memory_space<vmem>>
      %dma_wait3A_99 = tpu.memref_slice %arg3[%add3A_38] : memref<640000xi32, #tpu.memory_space<hbm>> -> memref<4000xi32, #tpu.memory_space<hbm>>
      %dma_wait3A_100 = arith.constant 0 : i32
      %dma_wait3A_101 = tpu.memref_slice %arg5[%dma_wait3A_100] : memref<4000xi32, #tpu.memory_space<vmem>> -> memref<4000xi32, #tpu.memory_space<vmem>>
      %dma_wait3A_102 = tpu.memref_slice %arg3[%add3A_38] : memref<640000xi32, #tpu.memory_space<hbm>> -> memref<4000xi32, #tpu.memory_space<hbm>>
      tpu.wait_dma2 semaphore(%run_scoped3A : memref<!tpu.dma_semaphore, #tpu.memory_space<semaphore_mem>>) src(%dma_wait3A_102 : memref<4000xi32, #tpu.memory_space<hbm>>) dst(%dma_wait3A_101 : memref<4000xi32, #tpu.memory_space<vmem>>)
      tpu.yield
    }) : () -> ()
    %dma_start3A_39 = arith.constant 0 : i32
    %dma_start3A_40 = arith.constant 0 : i32
    %dma_start3A_41 = tpu.memref_slice %arg6[%dma_start3A_39, %dma_start3A_40] : memref<4000x16xf32, #tpu.memory_space<vmem>> -> memref<4000x16xf32, #tpu.memory_space<vmem>>
    %dma_start3A_42 = arith.constant 0 : i32
    %dma_start3A_43 = tpu.memref_slice %arg5[%dma_start3A_42] : memref<4000xi32, #tpu.memory_space<vmem>> -> memref<4000xi32, #tpu.memory_space<vmem>>
    %dma_start3A_44 = arith.constant 0 : i32
    %dma_start3A_45 = arith.constant 0 : i32
    %dma_start3A_46 = tpu.memref_slice %arg2[%dma_start3A_44, %dma_start3A_45] : memref<10000x16xf32, #tpu.memory_space<hbm>> -> memref<10000x16xf32, #tpu.memory_space<hbm>>
    tpu.enqueue_indirect_dma source(%dma_start3A_46 : memref<10000x16xf32, #tpu.memory_space<hbm>>) target(%dma_start3A_41 : memref<4000x16xf32, #tpu.memory_space<vmem>>) offsets(%dma_start3A_43 : memref<4000xi32, #tpu.memory_space<vmem>>) semaphore(%arg7 : memref<!tpu.dma_semaphore, #tpu.memory_space<semaphore_mem>>)
    %dma_wait3A_47 = arith.constant 0 : i32
    %dma_wait3A_48 = arith.constant 0 : i32
    %dma_wait3A_49 = tpu.memref_slice %arg6[%dma_wait3A_47, %dma_wait3A_48] : memref<4000x16xf32, #tpu.memory_space<vmem>> -> memref<4000x16xf32, #tpu.memory_space<vmem>>
    %dma_wait3A_50 = arith.constant 0 : i32
    %dma_wait3A_51 = tpu.memref_slice %arg5[%dma_wait3A_50] : memref<4000xi32, #tpu.memory_space<vmem>> -> memref<4000xi32, #tpu.memory_space<vmem>>
    %dma_wait3A_52 = arith.constant 0 : i32
    %dma_wait3A_53 = arith.constant 0 : i32
    %dma_wait3A_54 = tpu.memref_slice %arg2[%dma_wait3A_52, %dma_wait3A_53] : memref<10000x16xf32, #tpu.memory_space<hbm>> -> memref<10000x16xf32, #tpu.memory_space<hbm>>
    tpu.wait_indirect_dma semaphore(%arg7 : memref<!tpu.dma_semaphore, #tpu.memory_space<semaphore_mem>>) src(%dma_wait3A_54 : memref<10000x16xf32, #tpu.memory_space<hbm>>) dst(%dma_wait3A_49 : memref<4000x16xf32, #tpu.memory_space<vmem>>)
    "tpu.region"() ({
      %run_scoped3A = tpu.sem_alloc : memref<!tpu.dma_semaphore, #tpu.memory_space<semaphore_mem>>
      %dma_start3A_91 = arith.constant 0 : i32
      %dma_start3A_92 = arith.constant 0 : i32
      %dma_start3A_93 = tpu.memref_slice %arg6[%dma_start3A_91, %dma_start3A_92] : memref<4000x16xf32, #tpu.memory_space<vmem>> -> memref<4000x16xf32, #tpu.memory_space<vmem>>
      %dma_start3A_94 = arith.constant 0 : i32
      %dma_start3A_95 = tpu.memref_slice %arg4[%add3A_38, %dma_start3A_94] : memref<640000x16xf32, #tpu.memory_space<hbm>> -> memref<4000x16xf32, #tpu.memory_space<hbm>>
      %dma_start3A_96 = arith.constant 0 : i32
      %dma_start3A_97 = tpu.memref_slice %arg4[%add3A_38, %dma_start3A_96] : memref<640000x16xf32, #tpu.memory_space<hbm>> -> memref<4000x16xf32, #tpu.memory_space<hbm>>
      %dma_start3A_98 = arith.constant 0 : i32
      %dma_start3A_99 = arith.constant 0 : i32
      %dma_start3A_100 = tpu.memref_slice %arg6[%dma_start3A_98, %dma_start3A_99] : memref<4000x16xf32, #tpu.memory_space<vmem>> -> memref<4000x16xf32, #tpu.memory_space<vmem>>
      tpu.enqueue_dma source(%dma_start3A_100 : memref<4000x16xf32, #tpu.memory_space<vmem>>) target(%dma_start3A_97 : memref<4000x16xf32, #tpu.memory_space<hbm>>) target_semaphore(%run_scoped3A : memref<!tpu.dma_semaphore, #tpu.memory_space<semaphore_mem>>)
      %dma_wait3A_101 = arith.constant 0 : i32
      %dma_wait3A_102 = arith.constant 0 : i32
      %dma_wait3A_103 = tpu.memref_slice %arg6[%dma_wait3A_101, %dma_wait3A_102] : memref<4000x16xf32, #tpu.memory_space<vmem>> -> memref<4000x16xf32, #tpu.memory_space<vmem>>
      %dma_wait3A_104 = arith.constant 0 : i32
      %dma_wait3A_105 = tpu.memref_slice %arg4[%add3A_38, %dma_wait3A_104] : memref<640000x16xf32, #tpu.memory_space<hbm>> -> memref<4000x16xf32, #tpu.memory_space<hbm>>
      %dma_wait3A_106 = arith.constant 0 : i32
      %dma_wait3A_107 = tpu.memref_slice %arg4[%add3A_38, %dma_wait3A_106] : memref<640000x16xf32, #tpu.memory_space<hbm>> -> memref<4000x16xf32, #tpu.memory_space<hbm>>
      %dma_wait3A_108 = arith.constant 0 : i32
      %dma_wait3A_109 = arith.constant 0 : i32
      %dma_wait3A_110 = tpu.memref_slice %arg6[%dma_wait3A_108, %dma_wait3A_109] : memref<4000x16xf32, #tpu.memory_space<vmem>> -> memref<4000x16xf32, #tpu.memory_space<vmem>>
      tpu.wait_dma2 semaphore(%run_scoped3A : memref<!tpu.dma_semaphore, #tpu.memory_space<semaphore_mem>>) src(%dma_wait3A_110 : memref<4000x16xf32, #tpu.memory_space<vmem>>) dst(%dma_wait3A_107 : memref<4000x16xf32, #tpu.memory_space<hbm>>)
      tpu.yield
    }) : () -> ()
    %add3A_55 = arith.constant 12000 : i32
    %add3A_56 = arith.addi %mul3A_2, %add3A_55 : i32
    "tpu.region"() ({
      %run_scoped3A = tpu.sem_alloc : memref<!tpu.dma_semaphore, #tpu.memory_space<semaphore_mem>>
      %dma_start3A_91 = arith.constant 0 : i32
      %dma_start3A_92 = tpu.memref_slice %arg5[%dma_start3A_91] : memref<4000xi32, #tpu.memory_space<vmem>> -> memref<4000xi32, #tpu.memory_space<vmem>>
      %dma_start3A_93 = tpu.memref_slice %arg3[%add3A_56] : memref<640000xi32, #tpu.memory_space<hbm>> -> memref<4000xi32, #tpu.memory_space<hbm>>
      %dma_start3A_94 = arith.constant 0 : i32
      %dma_start3A_95 = tpu.memref_slice %arg5[%dma_start3A_94] : memref<4000xi32, #tpu.memory_space<vmem>> -> memref<4000xi32, #tpu.memory_space<vmem>>
      %dma_start3A_96 = tpu.memref_slice %arg3[%add3A_56] : memref<640000xi32, #tpu.memory_space<hbm>> -> memref<4000xi32, #tpu.memory_space<hbm>>
      tpu.enqueue_dma source(%dma_start3A_96 : memref<4000xi32, #tpu.memory_space<hbm>>) target(%dma_start3A_95 : memref<4000xi32, #tpu.memory_space<vmem>>) target_semaphore(%run_scoped3A : memref<!tpu.dma_semaphore, #tpu.memory_space<semaphore_mem>>)
      %dma_wait3A_97 = arith.constant 0 : i32
      %dma_wait3A_98 = tpu.memref_slice %arg5[%dma_wait3A_97] : memref<4000xi32, #tpu.memory_space<vmem>> -> memref<4000xi32, #tpu.memory_space<vmem>>
      %dma_wait3A_99 = tpu.memref_slice %arg3[%add3A_56] : memref<640000xi32, #tpu.memory_space<hbm>> -> memref<4000xi32, #tpu.memory_space<hbm>>
      %dma_wait3A_100 = arith.constant 0 : i32
      %dma_wait3A_101 = tpu.memref_slice %arg5[%dma_wait3A_100] : memref<4000xi32, #tpu.memory_space<vmem>> -> memref<4000xi32, #tpu.memory_space<vmem>>
      %dma_wait3A_102 = tpu.memref_slice %arg3[%add3A_56] : memref<640000xi32, #tpu.memory_space<hbm>> -> memref<4000xi32, #tpu.memory_space<hbm>>
      tpu.wait_dma2 semaphore(%run_scoped3A : memref<!tpu.dma_semaphore, #tpu.memory_space<semaphore_mem>>) src(%dma_wait3A_102 : memref<4000xi32, #tpu.memory_space<hbm>>) dst(%dma_wait3A_101 : memref<4000xi32, #tpu.memory_space<vmem>>)
      tpu.yield
    }) : () -> ()
    %dma_start3A_57 = arith.constant 0 : i32
    %dma_start3A_58 = arith.constant 0 : i32
    %dma_start3A_59 = tpu.memref_slice %arg6[%dma_start3A_57, %dma_start3A_58] : memref<4000x16xf32, #tpu.memory_space<vmem>> -> memref<4000x16xf32, #tpu.memory_space<vmem>>
    %dma_start3A_60 = arith.constant 0 : i32
    %dma_start3A_61 = tpu.memref_slice %arg5[%dma_start3A_60] : memref<4000xi32, #tpu.memory_space<vmem>> -> memref<4000xi32, #tpu.memory_space<vmem>>
    %dma_start3A_62 = arith.constant 0 : i32
    %dma_start3A_63 = arith.constant 0 : i32
    %dma_start3A_64 = tpu.memref_slice %arg2[%dma_start3A_62, %dma_start3A_63] : memref<10000x16xf32, #tpu.memory_space<hbm>> -> memref<10000x16xf32, #tpu.memory_space<hbm>>
    tpu.enqueue_indirect_dma source(%dma_start3A_64 : memref<10000x16xf32, #tpu.memory_space<hbm>>) target(%dma_start3A_59 : memref<4000x16xf32, #tpu.memory_space<vmem>>) offsets(%dma_start3A_61 : memref<4000xi32, #tpu.memory_space<vmem>>) semaphore(%arg7 : memref<!tpu.dma_semaphore, #tpu.memory_space<semaphore_mem>>)
    %dma_wait3A_65 = arith.constant 0 : i32
    %dma_wait3A_66 = arith.constant 0 : i32
    %dma_wait3A_67 = tpu.memref_slice %arg6[%dma_wait3A_65, %dma_wait3A_66] : memref<4000x16xf32, #tpu.memory_space<vmem>> -> memref<4000x16xf32, #tpu.memory_space<vmem>>
    %dma_wait3A_68 = arith.constant 0 : i32
    %dma_wait3A_69 = tpu.memref_slice %arg5[%dma_wait3A_68] : memref<4000xi32, #tpu.memory_space<vmem>> -> memref<4000xi32, #tpu.memory_space<vmem>>
    %dma_wait3A_70 = arith.constant 0 : i32
    %dma_wait3A_71 = arith.constant 0 : i32
    %dma_wait3A_72 = tpu.memref_slice %arg2[%dma_wait3A_70, %dma_wait3A_71] : memref<10000x16xf32, #tpu.memory_space<hbm>> -> memref<10000x16xf32, #tpu.memory_space<hbm>>
    tpu.wait_indirect_dma semaphore(%arg7 : memref<!tpu.dma_semaphore, #tpu.memory_space<semaphore_mem>>) src(%dma_wait3A_72 : memref<10000x16xf32, #tpu.memory_space<hbm>>) dst(%dma_wait3A_67 : memref<4000x16xf32, #tpu.memory_space<vmem>>)
    "tpu.region"() ({
      %run_scoped3A = tpu.sem_alloc : memref<!tpu.dma_semaphore, #tpu.memory_space<semaphore_mem>>
      %dma_start3A_91 = arith.constant 0 : i32
      %dma_start3A_92 = arith.constant 0 : i32
      %dma_start3A_93 = tpu.memref_slice %arg6[%dma_start3A_91, %dma_start3A_92] : memref<4000x16xf32, #tpu.memory_space<vmem>> -> memref<4000x16xf32, #tpu.memory_space<vmem>>
      %dma_start3A_94 = arith.constant 0 : i32
      %dma_start3A_95 = tpu.memref_slice %arg4[%add3A_56, %dma_start3A_94] : memref<640000x16xf32, #tpu.memory_space<hbm>> -> memref<4000x16xf32, #tpu.memory_space<hbm>>
      %dma_start3A_96 = arith.constant 0 : i32
      %dma_start3A_97 = tpu.memref_slice %arg4[%add3A_56, %dma_start3A_96] : memref<640000x16xf32, #tpu.memory_space<hbm>> -> memref<4000x16xf32, #tpu.memory_space<hbm>>
      %dma_start3A_98 = arith.constant 0 : i32
      %dma_start3A_99 = arith.constant 0 : i32
      %dma_start3A_100 = tpu.memref_slice %arg6[%dma_start3A_98, %dma_start3A_99] : memref<4000x16xf32, #tpu.memory_space<vmem>> -> memref<4000x16xf32, #tpu.memory_space<vmem>>
      tpu.enqueue_dma source(%dma_start3A_100 : memref<4000x16xf32, #tpu.memory_space<vmem>>) target(%dma_start3A_97 : memref<4000x16xf32, #tpu.memory_space<hbm>>) target_semaphore(%run_scoped3A : memref<!tpu.dma_semaphore, #tpu.memory_space<semaphore_mem>>)
      %dma_wait3A_101 = arith.constant 0 : i32
      %dma_wait3A_102 = arith.constant 0 : i32
      %dma_wait3A_103 = tpu.memref_slice %arg6[%dma_wait3A_101, %dma_wait3A_102] : memref<4000x16xf32, #tpu.memory_space<vmem>> -> memref<4000x16xf32, #tpu.memory_space<vmem>>
      %dma_wait3A_104 = arith.constant 0 : i32
      %dma_wait3A_105 = tpu.memref_slice %arg4[%add3A_56, %dma_wait3A_104] : memref<640000x16xf32, #tpu.memory_space<hbm>> -> memref<4000x16xf32, #tpu.memory_space<hbm>>
      %dma_wait3A_106 = arith.constant 0 : i32
      %dma_wait3A_107 = tpu.memref_slice %arg4[%add3A_56, %dma_wait3A_106] : memref<640000x16xf32, #tpu.memory_space<hbm>> -> memref<4000x16xf32, #tpu.memory_space<hbm>>
      %dma_wait3A_108 = arith.constant 0 : i32
      %dma_wait3A_109 = arith.constant 0 : i32
      %dma_wait3A_110 = tpu.memref_slice %arg6[%dma_wait3A_108, %dma_wait3A_109] : memref<4000x16xf32, #tpu.memory_space<vmem>> -> memref<4000x16xf32, #tpu.memory_space<vmem>>
      tpu.wait_dma2 semaphore(%run_scoped3A : memref<!tpu.dma_semaphore, #tpu.memory_space<semaphore_mem>>) src(%dma_wait3A_110 : memref<4000x16xf32, #tpu.memory_space<vmem>>) dst(%dma_wait3A_107 : memref<4000x16xf32, #tpu.memory_space<hbm>>)
      tpu.yield
    }) : () -> ()
    %add3A_73 = arith.constant 16000 : i32
    %add3A_74 = arith.addi %mul3A_2, %add3A_73 : i32
    "tpu.region"() ({
      %run_scoped3A = tpu.sem_alloc : memref<!tpu.dma_semaphore, #tpu.memory_space<semaphore_mem>>
      %dma_start3A_91 = arith.constant 0 : i32
      %dma_start3A_92 = tpu.memref_slice %arg5[%dma_start3A_91] : memref<4000xi32, #tpu.memory_space<vmem>> -> memref<4000xi32, #tpu.memory_space<vmem>>
      %dma_start3A_93 = tpu.memref_slice %arg3[%add3A_74] : memref<640000xi32, #tpu.memory_space<hbm>> -> memref<4000xi32, #tpu.memory_space<hbm>>
      %dma_start3A_94 = arith.constant 0 : i32
      %dma_start3A_95 = tpu.memref_slice %arg5[%dma_start3A_94] : memref<4000xi32, #tpu.memory_space<vmem>> -> memref<4000xi32, #tpu.memory_space<vmem>>
      %dma_start3A_96 = tpu.memref_slice %arg3[%add3A_74] : memref<640000xi32, #tpu.memory_space<hbm>> -> memref<4000xi32, #tpu.memory_space<hbm>>
      tpu.enqueue_dma source(%dma_start3A_96 : memref<4000xi32, #tpu.memory_space<hbm>>) target(%dma_start3A_95 : memref<4000xi32, #tpu.memory_space<vmem>>) target_semaphore(%run_scoped3A : memref<!tpu.dma_semaphore, #tpu.memory_space<semaphore_mem>>)
      %dma_wait3A_97 = arith.constant 0 : i32
      %dma_wait3A_98 = tpu.memref_slice %arg5[%dma_wait3A_97] : memref<4000xi32, #tpu.memory_space<vmem>> -> memref<4000xi32, #tpu.memory_space<vmem>>
      %dma_wait3A_99 = tpu.memref_slice %arg3[%add3A_74] : memref<640000xi32, #tpu.memory_space<hbm>> -> memref<4000xi32, #tpu.memory_space<hbm>>
      %dma_wait3A_100 = arith.constant 0 : i32
      %dma_wait3A_101 = tpu.memref_slice %arg5[%dma_wait3A_100] : memref<4000xi32, #tpu.memory_space<vmem>> -> memref<4000xi32, #tpu.memory_space<vmem>>
      %dma_wait3A_102 = tpu.memref_slice %arg3[%add3A_74] : memref<640000xi32, #tpu.memory_space<hbm>> -> memref<4000xi32, #tpu.memory_space<hbm>>
      tpu.wait_dma2 semaphore(%run_scoped3A : memref<!tpu.dma_semaphore, #tpu.memory_space<semaphore_mem>>) src(%dma_wait3A_102 : memref<4000xi32, #tpu.memory_space<hbm>>) dst(%dma_wait3A_101 : memref<4000xi32, #tpu.memory_space<vmem>>)
      tpu.yield
    }) : () -> ()
    %dma_start3A_75 = arith.constant 0 : i32
    %dma_start3A_76 = arith.constant 0 : i32
    %dma_start3A_77 = tpu.memref_slice %arg6[%dma_start3A_75, %dma_start3A_76] : memref<4000x16xf32, #tpu.memory_space<vmem>> -> memref<4000x16xf32, #tpu.memory_space<vmem>>
    %dma_start3A_78 = arith.constant 0 : i32
    %dma_start3A_79 = tpu.memref_slice %arg5[%dma_start3A_78] : memref<4000xi32, #tpu.memory_space<vmem>> -> memref<4000xi32, #tpu.memory_space<vmem>>
    %dma_start3A_80 = arith.constant 0 : i32
    %dma_start3A_81 = arith.constant 0 : i32
    %dma_start3A_82 = tpu.memref_slice %arg2[%dma_start3A_80, %dma_start3A_81] : memref<10000x16xf32, #tpu.memory_space<hbm>> -> memref<10000x16xf32, #tpu.memory_space<hbm>>
    tpu.enqueue_indirect_dma source(%dma_start3A_82 : memref<10000x16xf32, #tpu.memory_space<hbm>>) target(%dma_start3A_77 : memref<4000x16xf32, #tpu.memory_space<vmem>>) offsets(%dma_start3A_79 : memref<4000xi32, #tpu.memory_space<vmem>>) semaphore(%arg7 : memref<!tpu.dma_semaphore, #tpu.memory_space<semaphore_mem>>)
    %dma_wait3A_83 = arith.constant 0 : i32
    %dma_wait3A_84 = arith.constant 0 : i32
    %dma_wait3A_85 = tpu.memref_slice %arg6[%dma_wait3A_83, %dma_wait3A_84] : memref<4000x16xf32, #tpu.memory_space<vmem>> -> memref<4000x16xf32, #tpu.memory_space<vmem>>
    %dma_wait3A_86 = arith.constant 0 : i32
    %dma_wait3A_87 = tpu.memref_slice %arg5[%dma_wait3A_86] : memref<4000xi32, #tpu.memory_space<vmem>> -> memref<4000xi32, #tpu.memory_space<vmem>>
    %dma_wait3A_88 = arith.constant 0 : i32
    %dma_wait3A_89 = arith.constant 0 : i32
    %dma_wait3A_90 = tpu.memref_slice %arg2[%dma_wait3A_88, %dma_wait3A_89] : memref<10000x16xf32, #tpu.memory_space<hbm>> -> memref<10000x16xf32, #tpu.memory_space<hbm>>
    tpu.wait_indirect_dma semaphore(%arg7 : memref<!tpu.dma_semaphore, #tpu.memory_space<semaphore_mem>>) src(%dma_wait3A_90 : memref<10000x16xf32, #tpu.memory_space<hbm>>) dst(%dma_wait3A_85 : memref<4000x16xf32, #tpu.memory_space<vmem>>)
    "tpu.region"() ({
      %run_scoped3A = tpu.sem_alloc : memref<!tpu.dma_semaphore, #tpu.memory_space<semaphore_mem>>
      %dma_start3A_91 = arith.constant 0 : i32
      %dma_start3A_92 = arith.constant 0 : i32
      %dma_start3A_93 = tpu.memref_slice %arg6[%dma_start3A_91, %dma_start3A_92] : memref<4000x16xf32, #tpu.memory_space<vmem>> -> memref<4000x16xf32, #tpu.memory_space<vmem>>
      %dma_start3A_94 = arith.constant 0 : i32
      %dma_start3A_95 = tpu.memref_slice %arg4[%add3A_74, %dma_start3A_94] : memref<640000x16xf32, #tpu.memory_space<hbm>> -> memref<4000x16xf32, #tpu.memory_space<hbm>>
      %dma_start3A_96 = arith.constant 0 : i32
      %dma_start3A_97 = tpu.memref_slice %arg4[%add3A_74, %dma_start3A_96] : memref<640000x16xf32, #tpu.memory_space<hbm>> -> memref<4000x16xf32, #tpu.memory_space<hbm>>
      %dma_start3A_98 = arith.constant 0 : i32
      %dma_start3A_99 = arith.constant 0 : i32
      %dma_start3A_100 = tpu.memref_slice %arg6[%dma_start3A_98, %dma_start3A_99] : memref<4000x16xf32, #tpu.memory_space<vmem>> -> memref<4000x16xf32, #tpu.memory_space<vmem>>
      tpu.enqueue_dma source(%dma_start3A_100 : memref<4000x16xf32, #tpu.memory_space<vmem>>) target(%dma_start3A_97 : memref<4000x16xf32, #tpu.memory_space<hbm>>) target_semaphore(%run_scoped3A : memref<!tpu.dma_semaphore, #tpu.memory_space<semaphore_mem>>)
      %dma_wait3A_101 = arith.constant 0 : i32
      %dma_wait3A_102 = arith.constant 0 : i32
      %dma_wait3A_103 = tpu.memref_slice %arg6[%dma_wait3A_101, %dma_wait3A_102] : memref<4000x16xf32, #tpu.memory_space<vmem>> -> memref<4000x16xf32, #tpu.memory_space<vmem>>
      %dma_wait3A_104 = arith.constant 0 : i32
      %dma_wait3A_105 = tpu.memref_slice %arg4[%add3A_74, %dma_wait3A_104] : memref<640000x16xf32, #tpu.memory_space<hbm>> -> memref<4000x16xf32, #tpu.memory_space<hbm>>
      %dma_wait3A_106 = arith.constant 0 : i32
      %dma_wait3A_107 = tpu.memref_slice %arg4[%add3A_74, %dma_wait3A_106] : memref<640000x16xf32, #tpu.memory_space<hbm>> -> memref<4000x16xf32, #tpu.memory_space<hbm>>
      %dma_wait3A_108 = arith.constant 0 : i32
      %dma_wait3A_109 = arith.constant 0 : i32
      %dma_wait3A_110 = tpu.memref_slice %arg6[%dma_wait3A_108, %dma_wait3A_109] : memref<4000x16xf32, #tpu.memory_space<vmem>> -> memref<4000x16xf32, #tpu.memory_space<vmem>>
      tpu.wait_dma2 semaphore(%run_scoped3A : memref<!tpu.dma_semaphore, #tpu.memory_space<semaphore_mem>>) src(%dma_wait3A_110 : memref<4000x16xf32, #tpu.memory_space<vmem>>) dst(%dma_wait3A_107 : memref<4000x16xf32, #tpu.memory_space<hbm>>)
      tpu.yield
    }) : () -> ()
    return
  }
}

</mosaic_0001>

<sc_bundles>
// kernel: _sc_gather.3.cloned.1.call-start
scs
__scs_entry_jumppad:
0x0: {  	(pc) =	sbr.rel $0x88, $3  }
0x1: {  	(tag) =	ssettag $0x0;
	lr =	simm.s32 $0x1  }
0x2: {  	[smem:$0x3F9F] =	sst lr;
	_ =	strace $0xD0000000  }
0x3: {  	_ = 	snop  }
0x4: {  	_ = 	snop  }
0x5: {  	_ = 	snop  }
0x6: {  	_ = 	snop  }
0x7: {  	_ = 	snop  }
__scs_overlays_trampoline_lowered:
0x8: {  	[smem:$0x3FAE] =	sst s0  }
0x9: {  	[smem:$0x3FAF] =	sst s1  }
0xa: {  	[smem:$0x3FB0] =	sst s2  }
0xb: {  	[smem:$0x3FB1] =	sst s3  }
0xc: {  	[smem:$0x3FB2] =	sst s4  }
0xd: {  	[smem:$0x3FB3] =	sst s5  }
0xe: {  	[smem:$0x3FB4] =	sst s6  }
0xf: {  	[smem:$0x3FB5] =	sst s7  }
0x10: {  	[smem:$0x3FB6] =	sst s8  }
0x11: {  	[smem:$0x3FB7] =	sst s9;
	s0 =	simm.s32 @!p0 $0x0  }
0x12: {  	s1 =	sld [smem:$0x3F9D];
	s0 =	simm.s32 @p0 $0x1  }
0x13: {  	[smem:$0x3FB8] =	sst s0;
	s0 =	simm.s32 @!p1 $0x0  }
0x14: {  	s2 =	sld [smem:$0x3F9C];
	s0 =	simm.s32 @p1 $0x1  }
0x15: {  	[smem:$0x3FB9] =	sst s0;
	s0 =	simm.s32 @!p2 $0x0  }
0x16: {  	s3 =	sld [smem:$0x3FDB];
	s0 =	simm.s32 @p2 $0x1  }
0x17: {  	s4 =	simm.s32 $0x1BF5;
	[smem:$0x3FBB] =	sst s0  }
0x18: {  	s0 =	sld [smem:$0x3F9E];
	_ =	swait.ge [sflag:s4], $0x0  }
0x19: {  	s7 =	sld [smem:$0x3F9F]  }
0x1a: {  	s8 =	sadd.s32 $0xFFFFE003, lr  }
0x1b: {  	s9 =	sadd.s32 $0xFFFFFEF7, lr;
	s5 =	simm.s32 $0xFFFFFFFF;
	p2 =	slt.u32 s8, $0xFFFFF086  }
0x1c: {  	p1 =	slt.u32 s9, $0xF7A;
	s5 =	simm.s32 @!p2 $0x0  }
0x1d: {  	s5 =	simm.s32 @p1 $0x1;
	p0 =	seq.s32 s7, s2  }
0x1e: {  	s7 =	smul.u32 @!p0 $0xF7A, s2;
	p2 =	seq.s32 @!p0 s5, $0x0  }
0x1f: {  	s9 =	smul.u32 $0xF7A, s1;
	s8 =	simm.s32 @!p0 $0x1BF5;
	p2 =	por !p2, p0  }
0x20: {  	[sflag:s8] =	ssyncset.s32 @!p0 $0xFFFFF086;
	s6 =	sadd.s32 @!p0 s3, s7;
	s7 =	simm.s32 @!p0 $0x108  }
0x21: {  	s3 =	sadd.s32 s3, s9;
	s6 =	sadd.s32 @!p0 $0x88, s6;
	s7 =	simm.s32 @p2 $0x1082  }
0x22: {  	[simem:s7], [sflag:s8] =	dma.local @!p0 [hbm:s6], $0xF7A  }
0x23: {  	s9 =	sor.u32 $0xD0000000, s2;
	s6 =	simm.s32 $0x108;
	_ =	swait.ge @!p0 [sflag:s8], $0x0  }
0x24: {  	s3 =	sadd.s32 $0x88, s3;
	s6 =	simm.s32 @!p1 $0x1082;
	[sflag:s4] =	ssyncset.s32 $0xFFFFF086  }
0x25: {  	[simem:s6], [sflag:s4] =	dma.local [hbm:s3], $0xF7A  }
0x26: {  	[smem:$0x3F9F] =	sst s1;
	(tag) =	ssettag s2;
	_ =	strace s9  }
0x27: {  	s1 =	sld [smem:$0x3FAF]  }
0x28: {  	s2 =	sld [smem:$0x3FB0]  }
0x29: {  	s4 =	sld [smem:$0x3FB2]  }
0x2a: {  	p0 =	seq.s32 s5, $0x0;
	s5 =	sld [smem:$0x3FB3]  }
0x2b: {  	s6 =	sld [smem:$0x3FB4]  }
0x2c: {  	s7 =	sld [smem:$0x3FB5]  }
0x2d: {  	s3 =	simm.s32 $0x108;
	s8 =	sld [smem:$0x3FB6]  }
0x2e: {  	s3 =	simm.s32 @!p0 $0x1082;
	s9 =	sld [smem:$0x3FB7]  }
0x2f: {  	lr =	sadd.s32 s0, s3;
	s0 =	sld [smem:$0x3FAE]  }
0x30: {  	s3 =	sld [smem:$0x3FB1]  }
0x31: {  	[smem:$0x3FBA] =	sst s10  }
0x32: {  	s10 =	sld [smem:$0x3FB8];
	_ =	sdelay $0x3  }
0x33: {  	p0 =	seq.s32 s10, $0x1;
	s10 =	sld [smem:$0x3FBA];
	_ =	sdelay $0x3  }
0x34: {  	[smem:$0x3FBA] =	sst s10  }
0x35: {  	s10 =	sld [smem:$0x3FB9];
	_ =	sdelay $0x3  }
0x36: {  	p1 =	seq.s32 s10, $0x1;
	s10 =	sld [smem:$0x3FBA];
	_ =	sdelay $0x3  }
0x37: {  	[smem:$0x3FBA] =	sst s10  }
0x38: {  	s10 =	sld [smem:$0x3FBB]  }
0x39: {  	_ = 	snop;
	(pc) =	sbr.ind lr, $3  }
0x3a: {  	_ = 	snop  }
0x3b: {  	_ = 	snop  }
0x3c: {  	p2 =	seq.s32 s10, $0x1;
	s10 =	sld [smem:$0x3FBA]  }
0x3d: {  	_ =	shalt  }
0x3e: {  	_ =	shalt  }
0x3f: {  	_ =	shalt  }
0x40: {  	_ =	shalt  }
0x41: {  	_ =	shalt  }
0x42: {  	_ =	shalt  }
0x43: {  	_ =	shalt  }
0x44: {  	_ =	shalt  }
0x45: {  	_ =	shalt  }
0x46: {  	_ =	shalt  }
0x47: {  	_ =	shalt  }
0x48: {  	_ =	shalt  }
0x49: {  	_ =	shalt  }
0x4a: {  	_ =	shalt  }
0x4b: {  	_ =	shalt  }
0x4c: {  	_ =	shalt  }
0x4d: {  	_ =	shalt  }
0x4e: {  	_ =	shalt  }
0x4f: {  	_ =	shalt  }
0x50: {  	_ =	shalt  }
0x51: {  	_ =	shalt  }
0x52: {  	_ =	shalt  }
0x53: {  	_ =	shalt  }
0x54: {  	_ =	shalt  }
0x55: {  	_ =	shalt  }
0x56: {  	_ =	shalt  }
0x57: {  	_ =	shalt  }
0x58: {  	_ =	shalt  }
0x59: {  	_ =	shalt  }
0x5a: {  	_ =	shalt  }
0x5b: {  	_ =	shalt  }
0x5c: {  	_ =	shalt  }
0x5d: {  	_ =	shalt  }
0x5e: {  	_ =	shalt  }
0x5f: {  	_ =	shalt  }
0x60: {  	_ =	shalt  }
0x61: {  	_ =	shalt  }
0x62: {  	_ =	shalt  }
0x63: {  	_ =	shalt  }
0x64: {  	_ =	shalt  }
0x65: {  	_ =	shalt  }
0x66: {  	_ =	shalt  }
0x67: {  	_ =	shalt  }
0x68: {  	_ =	shalt  }
0x69: {  	_ =	shalt  }
0x6a: {  	_ =	shalt  }
0x6b: {  	_ =	shalt  }
0x6c: {  	_ =	shalt  }
0x6d: {  	_ =	shalt  }
0x6e: {  	_ =	shalt  }
0x6f: {  	_ =	shalt  }
0x70: {  	_ =	shalt  }
0x71: {  	_ =	shalt  }
0x72: {  	_ =	shalt  }
0x73: {  	_ =	shalt  }
0x74: {  	_ =	shalt  }
0x75: {  	_ =	shalt  }
0x76: {  	_ =	shalt  }
0x77: {  	_ =	shalt  }
0x78: {  	_ =	shalt  }
0x79: {  	_ =	shalt  }
0x7a: {  	_ =	shalt  }
0x7b: {  	_ =	shalt  }
0x7c: {  	_ =	shalt  }
0x7d: {  	_ =	shalt  }
0x7e: {  	_ =	shalt  }
0x7f: {  	_ =	shalt  }
0x80: {  	_ =	shalt  }
0x81: {  	_ =	shalt  }
0x82: {  	_ =	shalt  }
0x83: {  	_ =	shalt  }
0x84: {  	_ =	shalt  }
0x85: {  	_ =	shalt  }
0x86: {  	_ =	shalt  }
0x87: {  	_ =	shalt  }
.Lfunc_end0:
.L_simem_size_0:
called_computation.1_lowered:
.L_overlay_start_0:
0x88: {  	s2 =	sld [smem:$0x3FD9]  }
0x89: {  	s3 =	sld [smem:$0x3FFE];
	_ =	sdelay $0x1  }
0x8a: {  	s1 =	srdreg.scid  }
0x8b: {  	s0 =	sand.u32 $0x1, s1  }
0x8c: {  	s17 =	sshll.u32 s0, $0xA;
	s2 =	sadd.s32 s3, s2  }
0x8d: {  	s2 =	sadd.s32 s2, s17  }
0x8e: {  	[smem:$0x3FC6] =	sst s2  }
0x8f: {  	_ = 	snop  }
0x90: {  	s2 =	sld [smem:$0x3FC8]  }
0x91: {  	s18 =	sld [smem:$0x3FD0];
	(tm) =	ssettm $0x1  }
0x92: {  	s4 =	sld [smem:$0x3FFB];
	_ =	sdelay $0x3  }
0x93: {  	_ =	strace s4  }
0x94: {  	s4 =	sld [smem:$0x3FFC];
	_ =	sdelay $0x3  }
0x95: {  	_ =	strace s4  }
0x96: {  	s4 =	sld [smem:$0x3FFD];
	_ =	sdelay $0x3  }
0x97: {  	_ =	strace s4  }
0x98: {  	_ =	strace $0x8FFFFFFF  }
0x99: {  	s19 =	sld [smem:$0x3FDB];
	_ =	sdelay $0x1  }
0x9a: {  	s5 =	simm.s32 $_scs_section_size  }
0x9b: {  	s6 =	simm.s32 $_size__tile_overlayer_lowered;
	s7 =	simm.s32 $_tile_overlayer_lowered  }
0x9c: {  	s22 =	simm.s32 $0x1BFF;
	s21 =	sshll.u32 s7, $0x1;
	s4 =	sadd.s32 s5, s19  }
0x9d: {  	s8 =	simm.s32 $0x0;
	s20 =	sshll.u32 s6, $0x1;
	s6 =	sadd.s32 s21, s4  }
0x9e: {  	[timem:s8], [sflag:s22] =	dma.local [hbm:s6], s20  }
0x9f: {  	_ =	swait.ge [sflag:s22], s20  }
0xa0: {  	s5 =	ssub.s32 $0x0, s20;
	[sflag:s22] =	ssyncset.done $0x0  }
0xa1: {  	[sflag:s22] =	ssyncadd.s32 s5;
	_ =	sdelay $0x1  }
0xa2: {  	s23 =	simm.s32 $0x1B8B  }
0xa3: {  	_ =	swait.ge [sflag:s23], $0x1  }
0xa4: {  	[sflag:s23] =	ssyncset.done $0x0  }
0xa5: {  	s25 =	simm.s32 $0x1B8E;
	s24 =	sld [smem:$0x3FFE];
	[sflag:s23] =	ssyncadd.s32 $0xFFFFFFFF  }
0xa6: {  	s26 =	simm.s32 $execute0_lowered;
	[smem:$0x3FD2] =	sst s25  }
0xa7: {  	s6 =	sshll.u32 s26, $0x1;
	_ =	strace $0x80000046;
	[dreg:$0x1] =	wrdreg $0xFFFFFFFF  }
0xa8: {  	s28 =	simm.s32 $_size_execute0_lowered;
	s4 =	sadd.s32 s4, s6;
	[dreg:$0x0] =	wrdreg $0x0  }
0xa9: {  	s6 =	sshll.u32 s28, $0x1;
	[dreg:$0x2] =	wrdreg s4  }
0xaa: {  	[dreg:$0x3] =	wrdreg s6  }
0xab: {  	[dreg:$0x4] =	wrdreg $0xC0  }
0xac: {  	_ =	task [dreg:s8], $0x5FFFF  }
0xad: {  	[dreg:$0x1] =	wrdreg $0xFFFFFFFF  }
0xae: {  	[dreg:$0x0] =	wrdreg $0x60  }
0xaf: {  	[dreg:$0x2] =	wrdreg s24  }
0xb0: {  	[dreg:$0x3] =	wrdreg s2  }
0xb1: {  	[dreg:$0x4] =	wrdreg s18  }
0xb2: {  	[dreg:$0x5] =	wrdreg $0x9  }
0xb3: {  	_ =	task.clear_ibuf [dreg:s8], $0x6FFFF;
	_ =	strace $0x90000046  }
0xb4: {  	s29 =	simm.s32 $0x9;
	_ =	strace $0x80000048  }
0xb5: {  	_ =	swait.ge [sflag:s29], $0x1  }
0xb6: {  	[sflag:s29] =	ssyncadd.s32 $0xFFFFFFFF  }
0xb7: {  	_ =	strace $0x90000048  }
0xb8: {  	_ =	sfence  }
0xb9: {  	s30 =	sld [smem:$0x0];
	_ =	sdelay $0x2  }
0xba: {  	s31 =	sshll.u32 s1, $0xD;
	s1 =	sshrl.u32 s1, $0x2  }
0xbb: {  	s3 =	sand.u32 $0x4000, s31;
	s1 =	sadd.s32 s1, s30  }
0xbc: {  	s0 =	sor.u32 s3, s0;
	s1 =	sshll.u32 s1, $0x11  }
0xbd: {  	s0 =	sor.u32 s1, s0  }
0xbe: {  	s0 =	sadd.s32 $0x8F2B, s0  }
0xbf: {  	[sflag:s0] =	ssyncadd.remote.s32 $0x1  }
0xc0: {  	_ =	sfence.sel $0xFFFF  }
0xc1: {  	[dreg:$0x0] =	wrdreg $0xFFFFFFFF;
	(pc) =	sbr.abs _section_cstart, $3  }
0xc2: {  	[dreg:$0x1] =	wrdreg $0xFFFFFFFF  }
0xc3: {  	_ =	task.clear_ibuf [dreg:s8], $0x2FFFF;
	_ =	strace $0x9FFFFFFF  }
0xc4: {  	(tm) =	ssettm $0x7FFFFFFF  }
0xc5: {  	_ =	shalt  }
tec
execute0_lowered:
.L_overlay_start_1:
0x0: {  	(tag) =	ssettag $0x1  }
0x1: {  	s1 =	srdreg.scid;
	s0 =	stileid.u32  }
0x2: {  	s5 =	rddreg [dreg:$0x0];
	s17 =	sand.u32 $0x1, s1;
	s30 =	sshll.u32 s0, $0x1  }
0x3: {  	s15 =	rddreg [dreg:$0x1];
	s8 =	sor.u32 s17, s30  }
0x4: {  	s16 =	rddreg [dreg:$0x2];
	s18 =	smul.u32 $0x4E20, s8  }
0x5: {  	s2 =	simm.s32 $0x0;
	s1 =	rddreg [dreg:$0x3]  }
0x6: {  	[smem:$0x7FF] =	sst s2;
	s3 =	sshrl.u32 s18, $0x3  }
0x7: {  	_ =	strace $0x80000047;
	s4 =	sadd.s32 s15, s3;
	s3 =	simm.s32 $0x2  }
0x8: {  	[tilespmem:s2], [sflag:$0x2] =	stream.linear.gather [hbm4b:s4+s2], $0xFA0, $0x38;
	[tilespmem:$0x109A0] =	vst v63  }
0x9: {  	_ =	swait.ge [sflag:s3], $0xFA0  }
0xa: {  	s6 =	simm.s32 $0xFA0;
	[sflag:s3] =	ssyncset.done $0x0  }
0xb: {  	s7 =	simm.s32 $0x1;
	s5 =	sadd.s32 $0x800, s5;
	[sflag:s3] =	ssyncadd.s32 $0xFFFFF060  }
0xc: {  	[tilespmem:s6], [sflag:$0x1] =	stream.indirect.gather [hbm4b:s5+s6], $0x10, s2, s6, $0xb8;
	[tilespmem:$0x109A0] =	vst v63  }
0xd: {  	s8 =	smul.u32 $0x9C40, s8;
	_ =	swait.ge [sflag:s7], $0xFA00  }
0xe: {  	[sflag:s7] =	ssyncset.done $0x0  }
0xf: {  	s8 =	sadd.s32 s16, s8;
	[sflag:s7] =	ssyncadd.s32 $0xFFFF0600  }
0x10: {  	[hbm4b:s8+s2] =	stream.linear.scatter [tilespmem:s6], [sflag:$0x2], $0xFA00, $0x38;
	[tilespmem:$0x109A0] =	vst v63  }
0x11: {  	s10 =	sadd.s32 $0xFA0, s18;
	_ =	swait.ge [sflag:s3], $0xFA00  }
0x12: {  	s9 =	sshrl.u32 s10, $0x3;
	[sflag:s3] =	ssyncset.done $0x0  }
0x13: {  	s9 =	sadd.s32 s15, s9;
	[sflag:s3] =	ssyncadd.s32 $0xFFFF0600  }
0x14: {  	[tilespmem:s2], [sflag:$0x2] =	stream.linear.gather [hbm4b:s9+s2], $0xFA0, $0x38;
	[tilespmem:$0x109A0] =	vst v63  }
0x15: {  	_ =	swait.ge [sflag:s3], $0xFA0  }
0x16: {  	[sflag:s3] =	ssyncset.done $0x0  }
0x17: {  	[sflag:s3] =	ssyncadd.s32 $0xFFFFF060  }
0x18: {  	[tilespmem:s6], [sflag:$0x1] =	stream.indirect.gather [hbm4b:s5+s6], $0x10, s2, s6, $0xb8;
	[tilespmem:$0x109A0] =	vst v63  }
0x19: {  	_ =	swait.ge [sflag:s7], $0xFA00  }
0x1a: {  	s10 =	sshll.u32 s10, $0x1;
	[sflag:s7] =	ssyncset.done $0x0  }
0x1b: {  	s10 =	sadd.s32 s16, s10;
	[sflag:s7] =	ssyncadd.s32 $0xFFFF0600  }
0x1c: {  	[hbm4b:s10+s2] =	stream.linear.scatter [tilespmem:s6], [sflag:$0x2], $0xFA00, $0x38;
	[tilespmem:$0x109A0] =	vst v63  }
0x1d: {  	s12 =	sadd.s32 $0x1F40, s18;
	_ =	swait.ge [sflag:s3], $0xFA00  }
0x1e: {  	s11 =	sshrl.u32 s12, $0x3;
	[sflag:s3] =	ssyncset.done $0x0  }
0x1f: {  	s11 =	sadd.s32 s15, s11;
	[sflag:s3] =	ssyncadd.s32 $0xFFFF0600  }
0x20: {  	[tilespmem:s2], [sflag:$0x2] =	stream.linear.gather [hbm4b:s11+s2], $0xFA0, $0x38;
	[tilespmem:$0x109A0] =	vst v63  }
0x21: {  	_ =	swait.ge [sflag:s3], $0xFA0  }
0x22: {  	[sflag:s3] =	ssyncset.done $0x0  }
0x23: {  	[sflag:s3] =	ssyncadd.s32 $0xFFFFF060  }
0x24: {  	[tilespmem:s6], [sflag:$0x1] =	stream.indirect.gather [hbm4b:s5+s6], $0x10, s2, s6, $0xb8;
	[tilespmem:$0x109A0] =	vst v63  }
0x25: {  	_ =	swait.ge [sflag:s7], $0xFA00  }
0x26: {  	s12 =	sshll.u32 s12, $0x1;
	[sflag:s7] =	ssyncset.done $0x0  }
0x27: {  	s12 =	sadd.s32 s16, s12;
	[sflag:s7] =	ssyncadd.s32 $0xFFFF0600  }
0x28: {  	[hbm4b:s12+s2] =	stream.linear.scatter [tilespmem:s6], [sflag:$0x2], $0xFA00, $0x38;
	[tilespmem:$0x109A0] =	vst v63  }
0x29: {  	s14 =	sadd.s32 $0x2EE0, s18;
	_ =	swait.ge [sflag:s3], $0xFA00  }
0x2a: {  	s13 =	sshrl.u32 s14, $0x3;
	[sflag:s3] =	ssyncset.done $0x0  }
0x2b: {  	s13 =	sadd.s32 s15, s13;
	[sflag:s3] =	ssyncadd.s32 $0xFFFF0600  }
0x2c: {  	[tilespmem:s2], [sflag:$0x2] =	stream.linear.gather [hbm4b:s13+s2], $0xFA0, $0x38;
	[tilespmem:$0x109A0] =	vst v63  }
0x2d: {  	_ =	swait.ge [sflag:s3], $0xFA0  }
0x2e: {  	[sflag:s3] =	ssyncset.done $0x0  }
0x2f: {  	[sflag:s3] =	ssyncadd.s32 $0xFFFFF060  }
0x30: {  	[tilespmem:s6], [sflag:$0x1] =	stream.indirect.gather [hbm4b:s5+s6], $0x10, s2, s6, $0xb8;
	[tilespmem:$0x109A0] =	vst v63  }
0x31: {  	_ =	swait.ge [sflag:s7], $0xFA00  }
0x32: {  	s14 =	sshll.u32 s14, $0x1;
	[sflag:s7] =	ssyncset.done $0x0  }
0x33: {  	s14 =	sadd.s32 s16, s14;
	[sflag:s7] =	ssyncadd.s32 $0xFFFF0600  }
0x34: {  	[hbm4b:s14+s2] =	stream.linear.scatter [tilespmem:s6], [sflag:$0x2], $0xFA00, $0x38;
	[tilespmem:$0x109A0] =	vst v63  }
0x35: {  	s18 =	sadd.s32 $0x3E80, s18;
	_ =	swait.ge [sflag:s3], $0xFA00  }
0x36: {  	s19 =	sshrl.u32 s18, $0x3;
	[sflag:s3] =	ssyncset.done $0x0  }
0x37: {  	s17 =	ssub.s32 $0x2, s17;
	s15 =	sadd.s32 s15, s19;
	[sflag:s3] =	ssyncadd.s32 $0xFFFF0600  }
0x38: {  	[tilespmem:s2], [sflag:$0x2] =	stream.linear.gather [hbm4b:s15+s2], $0xFA0, $0x38;
	[tilespmem:$0x109A0] =	vst v63  }
0x39: {  	s31 =	sshrl.u32 s17, $0x1;
	_ =	swait.ge [sflag:s3], $0xFA0  }
0x3a: {  	s17 =	ssub.s32 s17, s31;
	[sflag:s3] =	ssyncset.done $0x0  }
0x3b: {  	s17 =	smax.u32 s17, $0x1;
	[sflag:s3] =	ssyncadd.s32 $0xFFFFF060  }
0x3c: {  	[tilespmem:s6], [sflag:$0x1] =	stream.indirect.gather [hbm4b:s5+s6], $0x10, s2, s6, $0xb8;
	[tilespmem:$0x109A0] =	vst v63  }
0x3d: {  	p0 =	sne.s32 s17, $0x1;
	_ =	swait.ge [sflag:s7], $0xFA00  }
.Ltmp0:
0x3e: {  	s18 =	sshll.u32 s18, $0x1;
	[sflag:s7] =	ssyncset.done $0x0;
	(pc) =	sbr.rel @!p0 .LBB2_2-.Ltmp0, $4  }
0x3f: {  	s16 =	sadd.s32 s16, s18;
	[sflag:s7] =	ssyncadd.s32 $0xFFFF0600  }
0x40: {  	[hbm4b:s16+s2] =	stream.linear.scatter [tilespmem:s6], [sflag:$0x2], $0xFA00, $0x38;
	[tilespmem:$0x109A0] =	vst v63  }
0x41: {  	_ =	swait.ge [sflag:s3], $0xFA00  }
0x42: {  	s17 =	sadd.s32 $0xFFFFFFFF, s17;
	[sflag:s3] =	ssyncset.done $0x0  }
.LBB2_1:
0x43: {  	p0 =	sne.s32 s17, $0x1;
	s17 =	sadd.s32 $0xFFFFFFFF, s17;
	[sflag:s3] =	ssyncadd.s32 $0xFFFF0600  }
0x44: {  	[tilespmem:s2], [sflag:$0x2] =	stream.linear.gather [hbm4b:s4+s2], $0xFA0, $0x38;
	[tilespmem:$0x109A0] =	vst v63  }
0x45: {  	_ =	swait.ge [sflag:s3], $0xFA0  }
0x46: {  	[sflag:s3] =	ssyncset.done $0x0  }
0x47: {  	[sflag:s3] =	ssyncadd.s32 $0xFFFFF060  }
0x48: {  	[tilespmem:s6], [sflag:$0x1] =	stream.indirect.gather [hbm4b:s5+s6], $0x10, s2, s6, $0xb8;
	[tilespmem:$0x109A0] =	vst v63  }
0x49: {  	_ =	swait.ge [sflag:s7], $0xFA00  }
0x4a: {  	[sflag:s7] =	ssyncset.done $0x0  }
0x4b: {  	[sflag:s7] =	ssyncadd.s32 $0xFFFF0600  }
0x4c: {  	[hbm4b:s8+s2] =	stream.linear.scatter [tilespmem:s6], [sflag:$0x2], $0xFA00, $0x38;
	[tilespmem:$0x109A0] =	vst v63  }
0x4d: {  	_ =	swait.ge [sflag:s3], $0xFA00  }
0x4e: {  	[sflag:s3] =	ssyncset.done $0x0  }
0x4f: {  	[sflag:s3] =	ssyncadd.s32 $0xFFFF0600  }
0x50: {  	[tilespmem:s2], [sflag:$0x2] =	stream.linear.gather [hbm4b:s9+s2], $0xFA0, $0x38;
	[tilespmem:$0x109A0] =	vst v63  }
0x51: {  	_ =	swait.ge [sflag:s3], $0xFA0  }
0x52: {  	[sflag:s3] =	ssyncset.done $0x0  }
0x53: {  	[sflag:s3] =	ssyncadd.s32 $0xFFFFF060  }
0x54: {  	[tilespmem:s6], [sflag:$0x1] =	stream.indirect.gather [hbm4b:s5+s6], $0x10, s2, s6, $0xb8;
	[tilespmem:$0x109A0] =	vst v63  }
0x55: {  	_ =	swait.ge [sflag:s7], $0xFA00  }
0x56: {  	[sflag:s7] =	ssyncset.done $0x0  }
0x57: {  	[sflag:s7] =	ssyncadd.s32 $0xFFFF0600  }
0x58: {  	[hbm4b:s10+s2] =	stream.linear.scatter [tilespmem:s6], [sflag:$0x2], $0xFA00, $0x38;
	[tilespmem:$0x109A0] =	vst v63  }
0x59: {  	_ =	swait.ge [sflag:s3], $0xFA00  }
0x5a: {  	[sflag:s3] =	ssyncset.done $0x0  }
0x5b: {  	[sflag:s3] =	ssyncadd.s32 $0xFFFF0600  }
0x5c: {  	[tilespmem:s2], [sflag:$0x2] =	stream.linear.gather [hbm4b:s11+s2], $0xFA0, $0x38;
	[tilespmem:$0x109A0] =	vst v63  }
0x5d: {  	_ =	swait.ge [sflag:s3], $0xFA0  }
0x5e: {  	[sflag:s3] =	ssyncset.done $0x0  }
0x5f: {  	[sflag:s3] =	ssyncadd.s32 $0xFFFFF060  }
0x60: {  	[tilespmem:s6], [sflag:$0x1] =	stream.indirect.gather [hbm4b:s5+s6], $0x10, s2, s6, $0xb8;
	[tilespmem:$0x109A0] =	vst v63  }
0x61: {  	_ =	swait.ge [sflag:s7], $0xFA00  }
0x62: {  	[sflag:s7] =	ssyncset.done $0x0  }
0x63: {  	[sflag:s7] =	ssyncadd.s32 $0xFFFF0600  }
0x64: {  	[hbm4b:s12+s2] =	stream.linear.scatter [tilespmem:s6], [sflag:$0x2], $0xFA00, $0x38;
	[tilespmem:$0x109A0] =	vst v63  }
0x65: {  	_ =	swait.ge [sflag:s3], $0xFA00  }
0x66: {  	[sflag:s3] =	ssyncset.done $0x0  }
0x67: {  	[sflag:s3] =	ssyncadd.s32 $0xFFFF0600  }
0x68: {  	[tilespmem:s2], [sflag:$0x2] =	stream.linear.gather [hbm4b:s13+s2], $0xFA0, $0x38;
	[tilespmem:$0x109A0] =	vst v63  }
0x69: {  	_ =	swait.ge [sflag:s3], $0xFA0  }
0x6a: {  	[sflag:s3] =	ssyncset.done $0x0  }
0x6b: {  	[sflag:s3] =	ssyncadd.s32 $0xFFFFF060  }
0x6c: {  	[tilespmem:s6], [sflag:$0x1] =	stream.indirect.gather [hbm4b:s5+s6], $0x10, s2, s6, $0xb8;
	[tilespmem:$0x109A0] =	vst v63  }
0x6d: {  	_ =	swait.ge [sflag:s7], $0xFA00  }
0x6e: {  	[sflag:s7] =	ssyncset.done $0x0  }
0x6f: {  	[sflag:s7] =	ssyncadd.s32 $0xFFFF0600  }
0x70: {  	[hbm4b:s14+s2] =	stream.linear.scatter [tilespmem:s6], [sflag:$0x2], $0xFA00, $0x38;
	[tilespmem:$0x109A0] =	vst v63  }
0x71: {  	_ =	swait.ge [sflag:s3], $0xFA00  }
0x72: {  	[sflag:s3] =	ssyncset.done $0x0  }
0x73: {  	[sflag:s3] =	ssyncadd.s32 $0xFFFF0600  }
0x74: {  	[tilespmem:s2], [sflag:$0x2] =	stream.linear.gather [hbm4b:s15+s2], $0xFA0, $0x38;
	[tilespmem:$0x109A0] =	vst v63  }
0x75: {  	_ =	swait.ge [sflag:s3], $0xFA0  }
0x76: {  	[sflag:s3] =	ssyncset.done $0x0  }
0x77: {  	[sflag:s3] =	ssyncadd.s32 $0xFFFFF060  }
0x78: {  	[tilespmem:s6], [sflag:$0x1] =	stream.indirect.gather [hbm4b:s5+s6], $0x10, s2, s6, $0xb8;
	[tilespmem:$0x109A0] =	vst v63  }
0x79: {  	_ =	swait.ge [sflag:s7], $0xFA00  }
.Ltmp1:
0x7a: {  	[sflag:s7] =	ssyncset.done $0x0;
	(pc) =	sbr.rel @p0 .LBB2_1-.Ltmp1, $4  }
0x7b: {  	[sflag:s7] =	ssyncadd.s32 $0xFFFF0600  }
0x7c: {  	[hbm4b:s16+s2] =	stream.linear.scatter [tilespmem:s6], [sflag:$0x2], $0xFA00, $0x38;
	[tilespmem:$0x109A0] =	vst v63  }
0x7d: {  	_ =	swait.ge [sflag:s3], $0xFA00  }
0x7e: {  	[sflag:s3] =	ssyncset.done $0x0  }
.LBB2_2:
0x7f: {  	[sflag:s3] =	ssyncadd.s32 $0xFFFF0600  }
0x80: {  	_ =	sfence.sel $0x180000  }
0x81: {  	[bflag:$0x0] =	sbarrier.arrive $0xFFFF  }
0x82: {  	p0 =	sne.s32 s0, $0x0;
	_ =	strace $0x90000047  }
0x83: {  	s0 =	sadd.s32 @!p0 $0x100000, s1;
	[bflag:$0x2] =	sbarrier.arrive $0xFFFF  }
0x84: {  	[sflag:s0] =	ssyncadd.tile.s32 @!p0 $0x1;
	_ =	shalt  }
.Lfunc_end2:
_tile_overlayer_lowered:
.L_overlay_start_2:
0x85: {  	(tag) =	ssettag $0x2  }
0x86: {  	s0 =	rddreg [dreg:$0x0];
	s2 =	stileid.u32  }
0x87: {  	s1 =	rddreg [dreg:$0x1];
	p0 =	sne.s32 s2, $0x0  }
0x88: {  	s3 =	rddreg [dreg:$0x2];
	[bflag:$0x3] =	sbarrier.arrive $0xFFFF;
	s2 =	simm.s32 @!p0 $0x1C02  }
0x89: {  	[timem:s3], [sflag:s2] =	dma.local @!p0 [hbm:s0], s1  }
0x8a: {  	s0 =	simm.s32 @!p0 $0x2  }
0x8b: {  	_ =	swait.ge @!p0 [sflag:s0], s1  }
0x8c: {  	s1 =	ssub.s32 @!p0 $0x0, s1;
	[sflag:s0] =	ssyncset.done @!p0 $0x0  }
0x8d: {  	[sflag:s0] =	ssyncadd.s32 @!p0 s1  }
0x8e: {  	[bflag:$0x3] =	sbarrier.arrive $0xFFFF  }
0x8f: {  	_ =	shalt  }

// kernel: sparse-core-data-format-call.cloned.1.call-start
scs
called_computation_lowered:
.L_overlay_start_0:
0x0: {  	s2 =	sld [smem:$0x3FD9]  }
0x1: {  	s3 =	sld [smem:$0x3FFE];
	_ =	sdelay $0x1  }
0x2: {  	s1 =	srdreg.scid  }
0x3: {  	s0 =	sand.u32 $0x1, s1  }
0x4: {  	s18 =	sshll.u32 s0, $0xA;
	s2 =	sadd.s32 s3, s2  }
0x5: {  	s2 =	sadd.s32 s2, s18  }
0x6: {  	[smem:$0x3FC6] =	sst s2  }
0x7: {  	_ = 	snop  }
0x8: {  	s2 =	sld [smem:$0x3FD0];
	(tm) =	ssettm $0x1  }
0x9: {  	s19 =	sld [smem:$0x3FFB];
	_ =	sdelay $0x3  }
0xa: {  	_ =	strace s19  }
0xb: {  	s3 =	sld [smem:$0x3FFC];
	_ =	sdelay $0x3  }
0xc: {  	_ =	strace s3  }
0xd: {  	s3 =	sld [smem:$0x3FFD];
	_ =	sdelay $0x3  }
0xe: {  	_ =	strace s3  }
0xf: {  	_ =	strace $0x8FFFFFFF  }
0x10: {  	s20 =	sld [smem:$0x3FDB];
	_ =	sdelay $0x1  }
0x11: {  	s4 =	simm.s32 $_scs_section_size  }
0x12: {  	s5 =	simm.s32 $_size__tile_overlayer_lowered;
	s6 =	simm.s32 $_tile_overlayer_lowered  }
0x13: {  	s23 =	simm.s32 $0x1BFF;
	s22 =	sshll.u32 s6, $0x1;
	s3 =	sadd.s32 s4, s20  }
0x14: {  	s7 =	simm.s32 $0x0;
	s21 =	sshll.u32 s5, $0x1;
	s5 =	sadd.s32 s22, s3  }
0x15: {  	[timem:s7], [sflag:s23] =	dma.local [hbm:s5], s21  }
0x16: {  	_ =	swait.ge [sflag:s23], s21  }
0x17: {  	s4 =	ssub.s32 $0x0, s21;
	[sflag:s23] =	ssyncset.done $0x0  }
0x18: {  	[sflag:s23] =	ssyncadd.s32 s4;
	_ =	sdelay $0x1  }
0x19: {  	s24 =	simm.s32 $0x1B8B  }
0x1a: {  	_ =	swait.ge [sflag:s24], $0x1  }
0x1b: {  	[sflag:s24] =	ssyncset.done $0x0  }
0x1c: {  	s26 =	simm.s32 $0x1B8E;
	s25 =	sld [smem:$0x3FFE];
	[sflag:s24] =	ssyncadd.s32 $0xFFFFFFFF  }
0x1d: {  	s27 =	simm.s32 $execute0_lowered;
	[smem:$0x3FD2] =	sst s26  }
0x1e: {  	s5 =	sshll.u32 s27, $0x1;
	_ =	strace $0x80000049;
	[dreg:$0x1] =	wrdreg $0xFFFFFFFF  }
0x1f: {  	s28 =	simm.s32 $_size_execute0_lowered;
	s3 =	sadd.s32 s3, s5;
	[dreg:$0x0] =	wrdreg $0x0  }
0x20: {  	s5 =	sshll.u32 s28, $0x1;
	[dreg:$0x2] =	wrdreg s3  }
0x21: {  	[dreg:$0x3] =	wrdreg s5  }
0x22: {  	[dreg:$0x4] =	wrdreg $0xC0  }
0x23: {  	_ =	task [dreg:s7], $0x5FFFF  }
0x24: {  	[dreg:$0x1] =	wrdreg $0xFFFFFFFF  }
0x25: {  	[dreg:$0x0] =	wrdreg $0x60  }
0x26: {  	[dreg:$0x2] =	wrdreg s25  }
0x27: {  	[dreg:$0x3] =	wrdreg s2  }
0x28: {  	[dreg:$0x4] =	wrdreg $0x9  }
0x29: {  	_ =	task.clear_ibuf [dreg:s7], $0x5FFFF;
	_ =	strace $0x90000049  }
0x2a: {  	s29 =	simm.s32 $0x9;
	_ =	strace $0x8000004B  }
0x2b: {  	_ =	swait.ge [sflag:s29], $0x1  }
0x2c: {  	[sflag:s29] =	ssyncadd.s32 $0xFFFFFFFF  }
0x2d: {  	_ =	strace $0x9000004B  }
0x2e: {  	_ =	sfence  }
0x2f: {  	s30 =	sld [smem:$0x0];
	_ =	sdelay $0x2  }
0x30: {  	s31 =	sshll.u32 s1, $0xD;
	s1 =	sshrl.u32 s1, $0x2  }
0x31: {  	s3 =	sand.u32 $0x4000, s31;
	s1 =	sadd.s32 s1, s30  }
0x32: {  	s0 =	sor.u32 s3, s0;
	s1 =	sshll.u32 s1, $0x11  }
0x33: {  	s0 =	sor.u32 s1, s0  }
0x34: {  	s0 =	sadd.s32 $0x8F2B, s0  }
0x35: {  	[sflag:s0] =	ssyncadd.remote.s32 $0x1  }
0x36: {  	_ =	sfence.sel $0xFFFF  }
0x37: {  	[dreg:$0x0] =	wrdreg $0xFFFFFFFF;
	(pc) =	sbr.abs _section_cstart, $3  }
0x38: {  	[dreg:$0x1] =	wrdreg $0xFFFFFFFF  }
0x39: {  	_ =	task.clear_ibuf [dreg:s7], $0x2FFFF;
	_ =	strace $0x9FFFFFFF  }
0x3a: {  	(tm) =	ssettm $0x7FFFFFFF  }
0x3b: {  	_ =	shalt  }
tec
execute0_lowered:
.L_overlay_start_1:
0x0: {  	(tag) =	ssettag $0x1  }
0x1: {  	s0 =	srdreg.scid  }
0x2: {  	s1 =	sshll.u32 s0, $0x4  }
0x3: {  	s4 =	rddreg [dreg:$0x0];
	s0 =	stileid.u32;
	s1 =	sand.u32 $0x10, s1  }
0x4: {  	s2 =	rddreg [dreg:$0x1];
	s7 =	simm.s32 $0x1;
	s1 =	sor.u32 s0, s1  }
0x5: {  	s8 =	simm.s32 $0x2;
	s11 =	simm.s32 $0x0;
	s3 =	sshll.u32 s1, $0x7  }
0x6: {  	s10 =	simm.s32 $0x0;
	s4 =	sadd.s32 $0x800, s4;
	s6 =	ssub.s32 $0x9C400, s3  }
.Ltmp0:
0x7: {  	s1 =	rddreg [dreg:$0x2];
	s5 =	sand.u32 $0xF80, s6;
	(pc) =	sbr.rel .LBB1_1-.Ltmp0, $4  }
0x8: {  	_ =	strace $0x8000004A;
	s9 =	smov.u32 s3;
	p0 =	sne.s32 s5, $0x0  }
0x9: {  	s6 =	sshrl.u32 s6, $0xC;
	s5 =	simm.s32 $0x1;
	s7 =	simm.s32 @!p0 $0x0  }
0xa: {  	[sflag:s5] =	ssyncpa.u1 $0x0;
	p0 =	por $0x0, $0x0;
	s6 =	sadd.s32 s7, s6  }
0xb: {  	[sflag:s8] =	ssyncpa.u1 $0x0;
	s8 =	simm.s32 $0x4E2000;
	s7 =	sadd.s32 $0x1, s6  }
.LBB1_4:
0xc: {  	s14 =	sshll.u32 s11, $0x3  }
0xd: {  	s30 =	sand.u32 $0x7F, s11;
	s15 =	sand.u32 $0xFFFFFC00, s14  }
0xe: {  	s11 =	sor.u32 s30, s15  }
0xf: {  	s15 =	smulhi.u32 $0xD1B71759, s11  }
0x10: {  	s14 =	smulhi.u32 $0xD1B71759, s14  }
0x11: {  	s15 =	sshrl.u32 s15, $0x13  }
0x12: {  	s14 =	sshrl.u32 s14, $0x13;
	s15 =	smul.u32 $0x9C400, s15  }
0x13: {  	[tilespmem:s12+$0xFFFFFFFC ss:$0x81] =	vst.msk $0xffff, v1;
	s14 =	sand.u32 $0xF, s14  }
0x14: {  	[tilespmem:s12+$0xFFFFFFFD ss:$0x81] =	vst.msk $0xffff, v2;
	s14 =	smul.u32 $0x13880, s14;
	s11 =	ssub.s32 s11, s15  }
0x15: {  	[tilespmem:s12+$0xFFFFFFFE ss:$0x81] =	vst.msk $0xffff, v0;
	s15 =	sand.u32 $0x7, s11  }
0x16: {  	[tilespmem:s12+$0xFFFFFFFF ss:$0x81] =	vst.msk $0xffff, v4;
	s14 =	sadd.s32 s2, s14;
	s11 =	sshrl.u32 s11, $0x3;
	s15 =	sshll.u32 s15, $0x12  }
0x17: {  	[tilespmem:s12+$0xFFFFFFF9 ss:$0x81] =	vst.msk $0xffff, v3;
	s11 =	sadd.s32 s11, s14;
	s31 =	sor.u32 $0x400, s15  }
0x18: {  	[hbm4b:s11+s31] =	stream.strided.scatter [tilespmem:s13], [sflag:$0x2], $0x800, s8, s31, $0x20;
	[tilespmem:$0x2020] =	vst v63  }
.LBB1_5:
0x19: {  	s13 =	sadd.s32 $0x1000, s9  }
0x1a: {  	p2 =	sgt.s32 s13, $0x9C3FF  }
0x1b: {  	s13 =	smov.u32 @p2 s3;
	p2 =	sne.s32 s10, s7  }
.Ltmp1:
0x1c: {  	p1 =	slt.u32 s10, $0x2;
	(pc) =	sbr.rel @!p2 .LBB1_6-.Ltmp1, $4  }
0x1d: {  	s12 =	simm.s32 @!p1 $0x2  }
0x1e: {  	s14 =	sadd.s32 $0x1, s10;
	_ =	swait.ge @!p1 [sflag:s12], $0x800  }
0x1f: {  	s11 =	smov.u32 s9;
	p0 =	por !p0, !p0;
	[sflag:s12] =	ssyncset.done @!p1 $0x0  }
0x20: {  	s10 =	smov.u32 s14;
	s9 =	smov.u32 s13;
	[sflag:s12] =	ssyncadd.s32 @!p1 $0xFFFFF800  }
.LBB1_1:
0x21: {  	p1 =	sge.u32 s10, s6  }
0x22: {  	s12 =	sand.u32 @!p1 $0x1FFFFFF, s9  }
0x23: {  	s13 =	smulhi.u32 @!p1 $0x1A36E2F, s12;
	_ =	sdelay $0x1  }
0x24: {  	s13 =	sshrl.u32 @!p1 s13, $0xC  }
0x25: {  	s13 =	smul.u32 @!p1 $0x9C400, s13;
	_ =	sdelay $0x1  }
0x26: {  	s31 =	sadd.s32 $0xFFFFFFFF, s10;
	s14 =	sxor.u32 @!p1 $0xFFFFFFFF, s10;
	s12 =	ssub.s32 @!p1 s12, s13  }
0x27: {  	s15 =	simm.s32 @!p1 $0x80;
	s14 =	sshll.u32 @!p1 s14, $0xB;
	s12 =	sshll.u32 @!p1 s12, $0x4  }
0x28: {  	s13 =	sand.u32 @!p1 $0x800, s14;
	s14 =	simm.s32 @!p1 $0x10;
	s12 =	sadd.s32 @!p1 s4, s12  }
0x29: {  	[tilespmem:s13], [sflag:$0x1] =	stream.strided.gather @!p1 [hbm4b:s12+s14], $0x800, s15, s14, $0x38;
	[tilespmem:$0x2020] =	vst v63  }
0x2a: {  	p1 =	sge.u32 s31, s6  }
.Ltmp2:
0x2b: {  	_ = 	snop;
	(pc) =	sbr.rel @p1 .LBB1_5-.Ltmp2, $1  }
0x2c: {  	_ =	sdelay $0x3  }
0x2d: {  	s12 =	simm.s32 $0x1  }
0x2e: {  	_ =	swait.ge [sflag:s5], $0x800;
	s12 =	simm.s32 @!p0 $0x0  }
0x2f: {  	[sflag:s5] =	ssyncset.done $0x0;
	s13 =	sshll.u32 s12, $0xB  }
0x30: {  	[sflag:s5] =	ssyncadd.s32 $0xFFFFF800;
	s15 =	sor.u32 $0x40, s13  }
0x31: {  	v3 =	vld [tilespmem:s15+$0x30]  }
0x32: {  	s12 =	smul.u32 $0x2040, s12;
	v4 =	vld [tilespmem:s15+$0xFFFFFFD0]  }
0x33: {  	v5 =	vld [tilespmem:s15+$0xFFFFFFE0]  }
0x34: {  	s31 =	sand.u32 $0x1, s10;
	s12 =	sshrl.u32 s12, $0x2;
	v1 =	vld [tilespmem:s15+$0xFFFFFFF0]  }
0x35: {  	s13 =	smul.u32 $0x2040, s31;
	v2 =	vld [tilespmem:s15+$0x0];
	s12 =	sor.u32 $0x1007, s12  }
0x36: {  	v0 =	vld [tilespmem:s15+$0x10];
	[tilespmem:s12+$0x0 ss:$0x81] =	vst.msk $0xffff, v3  }
0x37: {  	s13 =	sshrl.u32 s13, $0x2;
	[tilespmem:s12+$0xFFFFFFFA ss:$0x81] =	vst.msk $0xffff, v4;
	v4 =	vld [tilespmem:s15+$0x20]  }
0x38: {  	s14 =	simm.s32 $0x0;
	s13 =	sor.u32 $0x1000, s13;
	v3 =	vld [tilespmem:s15+$0xFFFFFFC0];
	[tilespmem:s12+$0xFFFFFFFB ss:$0x81] =	vst.msk $0xffff, v5;
	s15 =	sadd.s32 $0x80, s15  }
.LBB1_3:
0x39: {  	v5 =	vld [tilespmem:s15+$0x30];
	s14 =	sadd.s32 $0x8, s14;
	[tilespmem:s12+$0xFFFFFFFC ss:$0x81] =	vst.msk $0xffff, v1  }
0x3a: {  	v6 =	vld [tilespmem:s15+$0xFFFFFFD0];
	p1 =	slt.u32 s14, $0x78;
	[tilespmem:s12+$0xFFFFFFFD ss:$0x81] =	vst.msk $0xffff, v2  }
0x3b: {  	v7 =	vld [tilespmem:s15+$0xFFFFFFE0];
	[tilespmem:s12+$0xFFFFFFFE ss:$0x81] =	vst.msk $0xffff, v0  }
.Ltmp3:
0x3c: {  	v1 =	vld [tilespmem:s15+$0xFFFFFFF0];
	[tilespmem:s12+$0xFFFFFFFF ss:$0x81] =	vst.msk $0xffff, v4;
	(pc) =	sbr.rel @p1 .LBB1_3-.Ltmp3, $4  }
0x3d: {  	v2 =	vld [tilespmem:s15+$0x0];
	[tilespmem:s12+$0xFFFFFFF9 ss:$0x81] =	vst.msk $0xffff, v3;
	s12 =	sadd.s32 $0x8, s12  }
0x3e: {  	v0 =	vld [tilespmem:s15+$0x10];
	[tilespmem:s12+$0x0 ss:$0x81] =	vst.msk $0xffff, v5  }
0x3f: {  	[tilespmem:s12+$0xFFFFFFFA ss:$0x81] =	vst.msk $0xffff, v6;
	v4 =	vld [tilespmem:s15+$0x20]  }
0x40: {  	v3 =	vld [tilespmem:s15+$0xFFFFFFC0];
	[tilespmem:s12+$0xFFFFFFFB ss:$0x81] =	vst.msk $0xffff, v7;
	s15 =	sadd.s32 $0x80, s15  }
.Ltmp4:
0x41: {  	_ = 	snop;
	(pc) =	sbr.rel .LBB1_4-.Ltmp4, $1  }
0x42: {  	_ =	sdelay $0x3  }
.LBB1_6:
0x43: {  	_ =	sfence.sel $0x180000  }
0x44: {  	s2 =	simm.s32 $0x1;
	[bflag:$0x0] =	sbarrier.arrive $0xFFFF  }
0x45: {  	s31 =	simm.s32 $0x2;
	[sflag:s2] =	ssyncpa.u1 $0x1  }
0x46: {  	[sflag:s31] =	ssyncpa.u1 $0x1  }
0x47: {  	p0 =	sne.s32 s0, $0x0;
	_ =	strace $0x9000004A  }
0x48: {  	s0 =	sadd.s32 @!p0 $0x100000, s1;
	[bflag:$0x2] =	sbarrier.arrive $0xFFFF  }
0x49: {  	[sflag:s0] =	ssyncadd.tile.s32 @!p0 $0x1;
	_ =	shalt  }
.Lfunc_end1:
_tile_overlayer_lowered:
.L_overlay_start_2:
0x4a: {  	(tag) =	ssettag $0x2  }
0x4b: {  	s0 =	rddreg [dreg:$0x0];
	s2 =	stileid.u32  }
0x4c: {  	s1 =	rddreg [dreg:$0x1];
	p0 =	sne.s32 s2, $0x0  }
0x4d: {  	s3 =	rddreg [dreg:$0x2];
	[bflag:$0x3] =	sbarrier.arrive $0xFFFF;
	s2 =	simm.s32 @!p0 $0x1C01  }
0x4e: {  	[timem:s3], [sflag:s2] =	dma.local @!p0 [hbm:s0], s1  }
0x4f: {  	s0 =	simm.s32 @!p0 $0x1  }
0x50: {  	_ =	swait.ge @!p0 [sflag:s0], s1  }
0x51: {  	s1 =	ssub.s32 @!p0 $0x0, s1;
	[sflag:s0] =	ssyncset.done @!p0 $0x0  }
0x52: {  	[sflag:s0] =	ssyncadd.s32 @!p0 s1  }
0x53: {  	[bflag:$0x3] =	sbarrier.arrive $0xFFFF  }
0x54: {  	_ =	shalt  }

</sc_bundles>
